<compile_context>
chip_gen: v7x
topology: tpu7x:2x2x1
jax: 0.10.2.dev20260603
libtpu: 0.0.44.dev20260713+nightly
codegen_flags: <defaults>
</compile_context>

<pallas_src>
import functools

import jax
import jax.numpy as jnp
from jax import lax
from jax.experimental import pallas as pl
from jax.experimental.pallas import tpu as pltpu
from jax.experimental.pallas import tpu_sc as plsc

EMB_DIM = 128
NUM_WORKERS = 32
CHUNK = 64
NBUF = 10


def _make_gather(n_rows: int):
    n_per_w = n_rows // NUM_WORKERS
    n_chunks = n_per_w // CHUNK
    n_groups = n_chunks // NBUF

    mesh = plsc.VectorSubcoreMesh(core_axis_name="c", subcore_axis_name="s")

    @functools.partial(
        pl.kernel,
        mesh=mesh,
        out_type=jax.ShapeDtypeStruct((n_rows, EMB_DIM), jnp.float32),
        scratch_types=(
            [pltpu.VMEM((n_chunks, CHUNK), jnp.int32)]
            + [pltpu.VMEM((CHUNK, EMB_DIM), jnp.float32) for _ in range(NBUF)]
            + [pltpu.SemaphoreType.DMA for _ in range(2 * NBUF)]
        ),
    )
    def gather_kernel(table_hbm, idx_hbm, out_hbm, idx_v, *scratch):
        bufs = scratch[:NBUF]
        sems_g = scratch[NBUF:2 * NBUF]
        sems_s = scratch[2 * NBUF:]

        wid = lax.axis_index("s") * 2 + lax.axis_index("c")
        pltpu.sync_copy(idx_hbm.at[wid], idx_v)
        base = wid * n_per_w

        def start_gather(j, b):
            pltpu.async_copy(table_hbm.at[idx_v.at[j]], bufs[b], sems_g[b])

        def wait_gather(j, b):
            pltpu.make_async_copy(
                table_hbm.at[idx_v.at[j]], bufs[b], sems_g[b]
            ).wait()

        def start_store(j, b):
            pltpu.async_copy(
                bufs[b], out_hbm.at[pl.ds(base + j * CHUNK, CHUNK)], sems_s[b]
            )

        def wait_store(j, b):
            pltpu.make_async_copy(
                bufs[b], out_hbm.at[pl.ds(base + j * CHUNK, CHUNK)], sems_s[b]
            ).wait()

        def body(g, carry):
            j0 = g * NBUF
            for b in range(NBUF):
                @pl.when(g > 0)
                def _(b=b):
                    wait_store(j0 + b - NBUF, b)

                start_gather(j0 + b, b)
            for b in range(NBUF):
                wait_gather(j0 + b, b)
                start_store(j0 + b, b)
            return carry

        lax.fori_loop(0, n_groups, body, 0)
        for b in range(NBUF):
            wait_store(n_chunks - NBUF + b, b)

    return gather_kernel


def kernel(inputs, table):
    batch, seq = inputs.shape
    n_rows = batch * seq
    idx = inputs.astype(jnp.int32).T.reshape(
        NUM_WORKERS, n_rows // (NUM_WORKERS * CHUNK), CHUNK
    )
    out = _make_gather(n_rows)(table, idx)
    return out.reshape(seq, batch, EMB_DIM).transpose(1, 0, 2)

# --- scband reference (transcript-rebuilt; emitter-appended) ---
"""Pipeline reference for scband-embedding-layer-59210419142817 (READ-ONLY COPY).

The authoritative reference and input builder live on the scoring server;
editing this copy changes nothing except your own understanding.
"""

import jax, jax.numpy as jnp
import numpy as np

VOCAB = 100000
EMB_DIM = 128
PADDING_IDX = 0

def setup_inputs(seed: int = 0) -> dict:
    key = jax.random.key(seed)
    k_idx, k_tab = jax.random.split(key)
    inputs = jax.random.randint(k_idx, (4096, 50), 0, VOCAB, dtype=jnp.int64 if jax.config.jax_enable_x64 else jnp.int32)
    table = jax.random.normal(k_tab, (VOCAB, EMB_DIM), dtype=jnp.float32)
    # torch nn.Embedding with padding_idx zeroes that row at init
    table = table.at[PADDING_IDX].set(0.0)
    return {"inputs": inputs, "table": table}

def reference(inputs, table) -> jnp.ndarray:
    # nn.Embedding forward: gather rows of the table (padding row is zeros)
    return jnp.take(table, inputs, axis=0)

if __name__ == "__main__":
    import jax
    _d = setup_inputs()
    print(jax.jit(kernel)(*tuple(_d.values())))

</pallas_src>

<mosaic_0001>
#map = affine_map<(d0, d1) -> (0, 0)>
#map1 = affine_map<(d0, d1) -> (0, 0, 0)>
module attributes {stable_mosaic.version = 14 : i64} {
  func.func @gather_kernel(%arg0: i32, %arg1: i32, %arg2: memref<100000x128xf32, #tpu.memory_space<hbm>>, %arg3: memref<32x100x64xi32, #tpu.memory_space<hbm>>, %arg4: memref<204800x128xf32, #tpu.memory_space<hbm>>, %arg5: memref<100x64xi32, #tpu.memory_space<vmem>>, %arg6: memref<64x128xf32, #tpu.memory_space<vmem>>, %arg7: memref<64x128xf32, #tpu.memory_space<vmem>>, %arg8: memref<64x128xf32, #tpu.memory_space<vmem>>, %arg9: memref<64x128xf32, #tpu.memory_space<vmem>>, %arg10: memref<64x128xf32, #tpu.memory_space<vmem>>, %arg11: memref<64x128xf32, #tpu.memory_space<vmem>>, %arg12: memref<64x128xf32, #tpu.memory_space<vmem>>, %arg13: memref<64x128xf32, #tpu.memory_space<vmem>>, %arg14: memref<64x128xf32, #tpu.memory_space<vmem>>, %arg15: memref<64x128xf32, #tpu.memory_space<vmem>>, %arg16: memref<!tpu.dma_semaphore, #tpu.memory_space<semaphore_mem>>, %arg17: memref<!tpu.dma_semaphore, #tpu.memory_space<semaphore_mem>>, %arg18: memref<!tpu.dma_semaphore, #tpu.memory_space<semaphore_mem>>, %arg19: memref<!tpu.dma_semaphore, #tpu.memory_space<semaphore_mem>>, %arg20: memref<!tpu.dma_semaphore, #tpu.memory_space<semaphore_mem>>, %arg21: memref<!tpu.dma_semaphore, #tpu.memory_space<semaphore_mem>>, %arg22: memref<!tpu.dma_semaphore, #tpu.memory_space<semaphore_mem>>, %arg23: memref<!tpu.dma_semaphore, #tpu.memory_space<semaphore_mem>>, %arg24: memref<!tpu.dma_semaphore, #tpu.memory_space<semaphore_mem>>, %arg25: memref<!tpu.dma_semaphore, #tpu.memory_space<semaphore_mem>>, %arg26: memref<!tpu.dma_semaphore, #tpu.memory_space<semaphore_mem>>, %arg27: memref<!tpu.dma_semaphore, #tpu.memory_space<semaphore_mem>>, %arg28: memref<!tpu.dma_semaphore, #tpu.memory_space<semaphore_mem>>, %arg29: memref<!tpu.dma_semaphore, #tpu.memory_space<semaphore_mem>>, %arg30: memref<!tpu.dma_semaphore, #tpu.memory_space<semaphore_mem>>, %arg31: memref<!tpu.dma_semaphore, #tpu.memory_space<semaphore_mem>>, %arg32: memref<!tpu.dma_semaphore, #tpu.memory_space<semaphore_mem>>, %arg33: memref<!tpu.dma_semaphore, #tpu.memory_space<semaphore_mem>>, %arg34: memref<!tpu.dma_semaphore, #tpu.memory_space<semaphore_mem>>, %arg35: memref<!tpu.dma_semaphore, #tpu.memory_space<semaphore_mem>>) attributes {dimension_semantics = [#tpu.dimension_semantics<core_parallel>, #tpu.dimension_semantics<subcore_parallel>], iteration_bounds = array<i64: 2, 16>, scalar_prefetch = 0 : i64, scratch_operands = 31 : i64, tpu.core_type = #tpu.core_type<sc_vector_subcore>, window_params = [{transform_indices = #map}, {transform_indices = #map1}, {transform_indices = #map}]} {
    %mul3A = arith.constant 2 : i32
    %mul3A_0 = arith.muli %arg1, %mul3A : i32
    %add3A = arith.addi %mul3A_0, %arg0 : i32
    "tpu.region"() ({
      %run_scoped3A = tpu.sem_alloc : memref<!tpu.dma_semaphore, #tpu.memory_space<semaphore_mem>>
      %dma_start3A = arith.constant 0 : i32
      %dma_start3A_67 = arith.constant 0 : i32
      %dma_start3A_68 = tpu.memref_slice %arg3[%add3A, %dma_start3A, %dma_start3A_67] : memref<32x100x64xi32, #tpu.memory_space<hbm>> -> memref<1x100x64xi32, #tpu.memory_space<hbm>>
      %dma_start3A_69 = tpu.memref_squeeze %dma_start3A_68 : memref<1x100x64xi32, #tpu.memory_space<hbm>> -> memref<100x64xi32, #tpu.memory_space<hbm>>
      %dma_start3A_70 = arith.constant 0 : i32
      %dma_start3A_71 = arith.constant 0 : i32
      %dma_start3A_72 = tpu.memref_slice %arg3[%add3A, %dma_start3A_70, %dma_start3A_71] : memref<32x100x64xi32, #tpu.memory_space<hbm>> -> memref<1x100x64xi32, #tpu.memory_space<hbm>>
      %dma_start3A_73 = tpu.memref_squeeze %dma_start3A_72 : memref<1x100x64xi32, #tpu.memory_space<hbm>> -> memref<100x64xi32, #tpu.memory_space<hbm>>
      tpu.enqueue_dma source(%dma_start3A_73 : memref<100x64xi32, #tpu.memory_space<hbm>>) target(%arg5 : memref<100x64xi32, #tpu.memory_space<vmem>>) target_semaphore(%run_scoped3A : memref<!tpu.dma_semaphore, #tpu.memory_space<semaphore_mem>>)
      %dma_wait3A_74 = arith.constant 0 : i32
      %dma_wait3A_75 = arith.constant 0 : i32
      %dma_wait3A_76 = tpu.memref_slice %arg3[%add3A, %dma_wait3A_74, %dma_wait3A_75] : memref<32x100x64xi32, #tpu.memory_space<hbm>> -> memref<1x100x64xi32, #tpu.memory_space<hbm>>
      %dma_wait3A_77 = tpu.memref_squeeze %dma_wait3A_76 : memref<1x100x64xi32, #tpu.memory_space<hbm>> -> memref<100x64xi32, #tpu.memory_space<hbm>>
      %dma_wait3A_78 = arith.constant 0 : i32
      %dma_wait3A_79 = arith.constant 0 : i32
      %dma_wait3A_80 = tpu.memref_slice %arg3[%add3A, %dma_wait3A_78, %dma_wait3A_79] : memref<32x100x64xi32, #tpu.memory_space<hbm>> -> memref<1x100x64xi32, #tpu.memory_space<hbm>>
      %dma_wait3A_81 = tpu.memref_squeeze %dma_wait3A_80 : memref<1x100x64xi32, #tpu.memory_space<hbm>> -> memref<100x64xi32, #tpu.memory_space<hbm>>
      tpu.wait_dma2 semaphore(%run_scoped3A : memref<!tpu.dma_semaphore, #tpu.memory_space<semaphore_mem>>) src(%dma_wait3A_81 : memref<100x64xi32, #tpu.memory_space<hbm>>) dst(%arg5 : memref<100x64xi32, #tpu.memory_space<vmem>>)
      tpu.yield
    }) : () -> ()
    %mul3A_1 = arith.constant 6400 : i32
    %mul3A_2 = arith.muli %add3A, %mul3A_1 : i32
    %scan3A = arith.constant 0 : i32
    %scan3A_3 = arith.constant 0 : i32
    %scan3A_4 = arith.constant 10 : i32
    %scan3A_5 = arith.addi %scan3A_3, %scan3A_4 : i32
    %scan3A_6 = arith.constant 1 : i32
    scf.for %scan3A_67 = %scan3A_3 to %scan3A_5 step %scan3A_6  : i32 {
      %mul3A_68 = arith.constant 10 : i32
      %mul3A_69 = arith.muli %scan3A_67, %mul3A_68 : i32
      %gt3A = arith.constant 0 : i32
      %gt3A_70 = arith.cmpi sgt, %scan3A_67, %gt3A : i32
      %convert_element_type3A = arith.extui %gt3A_70 : i1 to i32
      %cond3A = arith.constant 0 : i32
      %cond3A_71 = arith.cmpi ne, %convert_element_type3A, %cond3A : i32
      scf.if %cond3A_71 {
        %add3A_366 = arith.constant 0 : i32
        %add3A_367 = arith.addi %mul3A_69, %add3A_366 : i32
        %sub3A = arith.constant 10 : i32
        %sub3A_368 = arith.subi %add3A_367, %sub3A : i32
        %mul3A_369 = arith.constant 64 : i32
        %mul3A_370 = arith.muli %sub3A_368, %mul3A_369 : i32
        %add3A_371 = arith.addi %mul3A_2, %mul3A_370 : i32
        %dma_wait3A_372 = arith.constant 0 : i32
        %dma_wait3A_373 = tpu.memref_slice %arg4[%add3A_371, %dma_wait3A_372] : memref<204800x128xf32, #tpu.memory_space<hbm>> -> memref<64x128xf32, #tpu.memory_space<hbm>>
        %dma_wait3A_374 = arith.constant 0 : i32
        %dma_wait3A_375 = tpu.memref_slice %arg4[%add3A_371, %dma_wait3A_374] : memref<204800x128xf32, #tpu.memory_space<hbm>> -> memref<64x128xf32, #tpu.memory_space<hbm>>
        tpu.wait_dma2 semaphore(%arg26 : memref<!tpu.dma_semaphore, #tpu.memory_space<semaphore_mem>>) src(%arg6 : memref<64x128xf32, #tpu.memory_space<vmem>>) dst(%dma_wait3A_375 : memref<64x128xf32, #tpu.memory_space<hbm>>)
      } else {
      }
      %add3A_72 = arith.constant 0 : i32
      %add3A_73 = arith.addi %mul3A_69, %add3A_72 : i32
      %dma_start3A = arith.constant 0 : i32
      %dma_start3A_74 = tpu.memref_slice %arg5[%add3A_73, %dma_start3A] : memref<100x64xi32, #tpu.memory_space<vmem>> -> memref<1x64xi32, #tpu.memory_space<vmem>>
      %dma_start3A_75 = tpu.memref_squeeze %dma_start3A_74 : memref<1x64xi32, #tpu.memory_space<vmem>> -> memref<64xi32, #tpu.memory_space<vmem>>
      %dma_start3A_76 = arith.constant 0 : i32
      %dma_start3A_77 = arith.constant 0 : i32
      %dma_start3A_78 = tpu.memref_slice %arg2[%dma_start3A_76, %dma_start3A_77] : memref<100000x128xf32, #tpu.memory_space<hbm>> -> memref<100000x128xf32, #tpu.memory_space<hbm>>
      tpu.enqueue_indirect_dma source(%dma_start3A_78 : memref<100000x128xf32, #tpu.memory_space<hbm>>) target(%arg6 : memref<64x128xf32, #tpu.memory_space<vmem>>) offsets(%dma_start3A_75 : memref<64xi32, #tpu.memory_space<vmem>>) semaphore(%arg16 : memref<!tpu.dma_semaphore, #tpu.memory_space<semaphore_mem>>)
      %gt3A_79 = arith.constant 0 : i32
      %gt3A_80 = arith.cmpi sgt, %scan3A_67, %gt3A_79 : i32
      %convert_element_type3A_81 = arith.extui %gt3A_80 : i1 to i32
      %cond3A_82 = arith.constant 0 : i32
      %cond3A_83 = arith.cmpi ne, %convert_element_type3A_81, %cond3A_82 : i32
      scf.if %cond3A_83 {
        %add3A_366 = arith.constant 1 : i32
        %add3A_367 = arith.addi %mul3A_69, %add3A_366 : i32
        %sub3A = arith.constant 10 : i32
        %sub3A_368 = arith.subi %add3A_367, %sub3A : i32
        %mul3A_369 = arith.constant 64 : i32
        %mul3A_370 = arith.muli %sub3A_368, %mul3A_369 : i32
        %add3A_371 = arith.addi %mul3A_2, %mul3A_370 : i32
        %dma_wait3A_372 = arith.constant 0 : i32
        %dma_wait3A_373 = tpu.memref_slice %arg4[%add3A_371, %dma_wait3A_372] : memref<204800x128xf32, #tpu.memory_space<hbm>> -> memref<64x128xf32, #tpu.memory_space<hbm>>
        %dma_wait3A_374 = arith.constant 0 : i32
        %dma_wait3A_375 = tpu.memref_slice %arg4[%add3A_371, %dma_wait3A_374] : memref<204800x128xf32, #tpu.memory_space<hbm>> -> memref<64x128xf32, #tpu.memory_space<hbm>>
        tpu.wait_dma2 semaphore(%arg27 : memref<!tpu.dma_semaphore, #tpu.memory_space<semaphore_mem>>) src(%arg7 : memref<64x128xf32, #tpu.memory_space<vmem>>) dst(%dma_wait3A_375 : memref<64x128xf32, #tpu.memory_space<hbm>>)
      } else {
      }
      %add3A_84 = arith.constant 1 : i32
      %add3A_85 = arith.addi %mul3A_69, %add3A_84 : i32
      %dma_start3A_86 = arith.constant 0 : i32
      %dma_start3A_87 = tpu.memref_slice %arg5[%add3A_85, %dma_start3A_86] : memref<100x64xi32, #tpu.memory_space<vmem>> -> memref<1x64xi32, #tpu.memory_space<vmem>>
      %dma_start3A_88 = tpu.memref_squeeze %dma_start3A_87 : memref<1x64xi32, #tpu.memory_space<vmem>> -> memref<64xi32, #tpu.memory_space<vmem>>
      %dma_start3A_89 = arith.constant 0 : i32
      %dma_start3A_90 = arith.constant 0 : i32
      %dma_start3A_91 = tpu.memref_slice %arg2[%dma_start3A_89, %dma_start3A_90] : memref<100000x128xf32, #tpu.memory_space<hbm>> -> memref<100000x128xf32, #tpu.memory_space<hbm>>
      tpu.enqueue_indirect_dma source(%dma_start3A_91 : memref<100000x128xf32, #tpu.memory_space<hbm>>) target(%arg7 : memref<64x128xf32, #tpu.memory_space<vmem>>) offsets(%dma_start3A_88 : memref<64xi32, #tpu.memory_space<vmem>>) semaphore(%arg17 : memref<!tpu.dma_semaphore, #tpu.memory_space<semaphore_mem>>)
      %gt3A_92 = arith.constant 0 : i32
      %gt3A_93 = arith.cmpi sgt, %scan3A_67, %gt3A_92 : i32
      %convert_element_type3A_94 = arith.extui %gt3A_93 : i1 to i32
      %cond3A_95 = arith.constant 0 : i32
      %cond3A_96 = arith.cmpi ne, %convert_element_type3A_94, %cond3A_95 : i32
      scf.if %cond3A_96 {
        %add3A_366 = arith.constant 2 : i32
        %add3A_367 = arith.addi %mul3A_69, %add3A_366 : i32
        %sub3A = arith.constant 10 : i32
        %sub3A_368 = arith.subi %add3A_367, %sub3A : i32
        %mul3A_369 = arith.constant 64 : i32
        %mul3A_370 = arith.muli %sub3A_368, %mul3A_369 : i32
        %add3A_371 = arith.addi %mul3A_2, %mul3A_370 : i32
        %dma_wait3A_372 = arith.constant 0 : i32
        %dma_wait3A_373 = tpu.memref_slice %arg4[%add3A_371, %dma_wait3A_372] : memref<204800x128xf32, #tpu.memory_space<hbm>> -> memref<64x128xf32, #tpu.memory_space<hbm>>
        %dma_wait3A_374 = arith.constant 0 : i32
        %dma_wait3A_375 = tpu.memref_slice %arg4[%add3A_371, %dma_wait3A_374] : memref<204800x128xf32, #tpu.memory_space<hbm>> -> memref<64x128xf32, #tpu.memory_space<hbm>>
        tpu.wait_dma2 semaphore(%arg28 : memref<!tpu.dma_semaphore, #tpu.memory_space<semaphore_mem>>) src(%arg8 : memref<64x128xf32, #tpu.memory_space<vmem>>) dst(%dma_wait3A_375 : memref<64x128xf32, #tpu.memory_space<hbm>>)
      } else {
      }
      %add3A_97 = arith.constant 2 : i32
      %add3A_98 = arith.addi %mul3A_69, %add3A_97 : i32
      %dma_start3A_99 = arith.constant 0 : i32
      %dma_start3A_100 = tpu.memref_slice %arg5[%add3A_98, %dma_start3A_99] : memref<100x64xi32, #tpu.memory_space<vmem>> -> memref<1x64xi32, #tpu.memory_space<vmem>>
      %dma_start3A_101 = tpu.memref_squeeze %dma_start3A_100 : memref<1x64xi32, #tpu.memory_space<vmem>> -> memref<64xi32, #tpu.memory_space<vmem>>
      %dma_start3A_102 = arith.constant 0 : i32
      %dma_start3A_103 = arith.constant 0 : i32
      %dma_start3A_104 = tpu.memref_slice %arg2[%dma_start3A_102, %dma_start3A_103] : memref<100000x128xf32, #tpu.memory_space<hbm>> -> memref<100000x128xf32, #tpu.memory_space<hbm>>
      tpu.enqueue_indirect_dma source(%dma_start3A_104 : memref<100000x128xf32, #tpu.memory_space<hbm>>) target(%arg8 : memref<64x128xf32, #tpu.memory_space<vmem>>) offsets(%dma_start3A_101 : memref<64xi32, #tpu.memory_space<vmem>>) semaphore(%arg18 : memref<!tpu.dma_semaphore, #tpu.memory_space<semaphore_mem>>)
      %gt3A_105 = arith.constant 0 : i32
      %gt3A_106 = arith.cmpi sgt, %scan3A_67, %gt3A_105 : i32
      %convert_element_type3A_107 = arith.extui %gt3A_106 : i1 to i32
      %cond3A_108 = arith.constant 0 : i32
      %cond3A_109 = arith.cmpi ne, %convert_element_type3A_107, %cond3A_108 : i32
      scf.if %cond3A_109 {
        %add3A_366 = arith.constant 3 : i32
        %add3A_367 = arith.addi %mul3A_69, %add3A_366 : i32
        %sub3A = arith.constant 10 : i32
        %sub3A_368 = arith.subi %add3A_367, %sub3A : i32
        %mul3A_369 = arith.constant 64 : i32
        %mul3A_370 = arith.muli %sub3A_368, %mul3A_369 : i32
        %add3A_371 = arith.addi %mul3A_2, %mul3A_370 : i32
        %dma_wait3A_372 = arith.constant 0 : i32
        %dma_wait3A_373 = tpu.memref_slice %arg4[%add3A_371, %dma_wait3A_372] : memref<204800x128xf32, #tpu.memory_space<hbm>> -> memref<64x128xf32, #tpu.memory_space<hbm>>
        %dma_wait3A_374 = arith.constant 0 : i32
        %dma_wait3A_375 = tpu.memref_slice %arg4[%add3A_371, %dma_wait3A_374] : memref<204800x128xf32, #tpu.memory_space<hbm>> -> memref<64x128xf32, #tpu.memory_space<hbm>>
        tpu.wait_dma2 semaphore(%arg29 : memref<!tpu.dma_semaphore, #tpu.memory_space<semaphore_mem>>) src(%arg9 : memref<64x128xf32, #tpu.memory_space<vmem>>) dst(%dma_wait3A_375 : memref<64x128xf32, #tpu.memory_space<hbm>>)
      } else {
      }
      %add3A_110 = arith.constant 3 : i32
      %add3A_111 = arith.addi %mul3A_69, %add3A_110 : i32
      %dma_start3A_112 = arith.constant 0 : i32
      %dma_start3A_113 = tpu.memref_slice %arg5[%add3A_111, %dma_start3A_112] : memref<100x64xi32, #tpu.memory_space<vmem>> -> memref<1x64xi32, #tpu.memory_space<vmem>>
      %dma_start3A_114 = tpu.memref_squeeze %dma_start3A_113 : memref<1x64xi32, #tpu.memory_space<vmem>> -> memref<64xi32, #tpu.memory_space<vmem>>
      %dma_start3A_115 = arith.constant 0 : i32
      %dma_start3A_116 = arith.constant 0 : i32
      %dma_start3A_117 = tpu.memref_slice %arg2[%dma_start3A_115, %dma_start3A_116] : memref<100000x128xf32, #tpu.memory_space<hbm>> -> memref<100000x128xf32, #tpu.memory_space<hbm>>
      tpu.enqueue_indirect_dma source(%dma_start3A_117 : memref<100000x128xf32, #tpu.memory_space<hbm>>) target(%arg9 : memref<64x128xf32, #tpu.memory_space<vmem>>) offsets(%dma_start3A_114 : memref<64xi32, #tpu.memory_space<vmem>>) semaphore(%arg19 : memref<!tpu.dma_semaphore, #tpu.memory_space<semaphore_mem>>)
      %gt3A_118 = arith.constant 0 : i32
      %gt3A_119 = arith.cmpi sgt, %scan3A_67, %gt3A_118 : i32
      %convert_element_type3A_120 = arith.extui %gt3A_119 : i1 to i32
      %cond3A_121 = arith.constant 0 : i32
      %cond3A_122 = arith.cmpi ne, %convert_element_type3A_120, %cond3A_121 : i32
      scf.if %cond3A_122 {
        %add3A_366 = arith.constant 4 : i32
        %add3A_367 = arith.addi %mul3A_69, %add3A_366 : i32
        %sub3A = arith.constant 10 : i32
        %sub3A_368 = arith.subi %add3A_367, %sub3A : i32
        %mul3A_369 = arith.constant 64 : i32
        %mul3A_370 = arith.muli %sub3A_368, %mul3A_369 : i32
        %add3A_371 = arith.addi %mul3A_2, %mul3A_370 : i32
        %dma_wait3A_372 = arith.constant 0 : i32
        %dma_wait3A_373 = tpu.memref_slice %arg4[%add3A_371, %dma_wait3A_372] : memref<204800x128xf32, #tpu.memory_space<hbm>> -> memref<64x128xf32, #tpu.memory_space<hbm>>
        %dma_wait3A_374 = arith.constant 0 : i32
        %dma_wait3A_375 = tpu.memref_slice %arg4[%add3A_371, %dma_wait3A_374] : memref<204800x128xf32, #tpu.memory_space<hbm>> -> memref<64x128xf32, #tpu.memory_space<hbm>>
        tpu.wait_dma2 semaphore(%arg30 : memref<!tpu.dma_semaphore, #tpu.memory_space<semaphore_mem>>) src(%arg10 : memref<64x128xf32, #tpu.memory_space<vmem>>) dst(%dma_wait3A_375 : memref<64x128xf32, #tpu.memory_space<hbm>>)
      } else {
      }
      %add3A_123 = arith.constant 4 : i32
      %add3A_124 = arith.addi %mul3A_69, %add3A_123 : i32
      %dma_start3A_125 = arith.constant 0 : i32
      %dma_start3A_126 = tpu.memref_slice %arg5[%add3A_124, %dma_start3A_125] : memref<100x64xi32, #tpu.memory_space<vmem>> -> memref<1x64xi32, #tpu.memory_space<vmem>>
      %dma_start3A_127 = tpu.memref_squeeze %dma_start3A_126 : memref<1x64xi32, #tpu.memory_space<vmem>> -> memref<64xi32, #tpu.memory_space<vmem>>
      %dma_start3A_128 = arith.constant 0 : i32
      %dma_start3A_129 = arith.constant 0 : i32
      %dma_start3A_130 = tpu.memref_slice %arg2[%dma_start3A_128, %dma_start3A_129] : memref<100000x128xf32, #tpu.memory_space<hbm>> -> memref<100000x128xf32, #tpu.memory_space<hbm>>
      tpu.enqueue_indirect_dma source(%dma_start3A_130 : memref<100000x128xf32, #tpu.memory_space<hbm>>) target(%arg10 : memref<64x128xf32, #tpu.memory_space<vmem>>) offsets(%dma_start3A_127 : memref<64xi32, #tpu.memory_space<vmem>>) semaphore(%arg20 : memref<!tpu.dma_semaphore, #tpu.memory_space<semaphore_mem>>)
      %gt3A_131 = arith.constant 0 : i32
      %gt3A_132 = arith.cmpi sgt, %scan3A_67, %gt3A_131 : i32
      %convert_element_type3A_133 = arith.extui %gt3A_132 : i1 to i32
      %cond3A_134 = arith.constant 0 : i32
      %cond3A_135 = arith.cmpi ne, %convert_element_type3A_133, %cond3A_134 : i32
      scf.if %cond3A_135 {
        %add3A_366 = arith.constant 5 : i32
        %add3A_367 = arith.addi %mul3A_69, %add3A_366 : i32
        %sub3A = arith.constant 10 : i32
        %sub3A_368 = arith.subi %add3A_367, %sub3A : i32
        %mul3A_369 = arith.constant 64 : i32
        %mul3A_370 = arith.muli %sub3A_368, %mul3A_369 : i32
        %add3A_371 = arith.addi %mul3A_2, %mul3A_370 : i32
        %dma_wait3A_372 = arith.constant 0 : i32
        %dma_wait3A_373 = tpu.memref_slice %arg4[%add3A_371, %dma_wait3A_372] : memref<204800x128xf32, #tpu.memory_space<hbm>> -> memref<64x128xf32, #tpu.memory_space<hbm>>
        %dma_wait3A_374 = arith.constant 0 : i32
        %dma_wait3A_375 = tpu.memref_slice %arg4[%add3A_371, %dma_wait3A_374] : memref<204800x128xf32, #tpu.memory_space<hbm>> -> memref<64x128xf32, #tpu.memory_space<hbm>>
        tpu.wait_dma2 semaphore(%arg31 : memref<!tpu.dma_semaphore, #tpu.memory_space<semaphore_mem>>) src(%arg11 : memref<64x128xf32, #tpu.memory_space<vmem>>) dst(%dma_wait3A_375 : memref<64x128xf32, #tpu.memory_space<hbm>>)
      } else {
      }
      %add3A_136 = arith.constant 5 : i32
      %add3A_137 = arith.addi %mul3A_69, %add3A_136 : i32
      %dma_start3A_138 = arith.constant 0 : i32
      %dma_start3A_139 = tpu.memref_slice %arg5[%add3A_137, %dma_start3A_138] : memref<100x64xi32, #tpu.memory_space<vmem>> -> memref<1x64xi32, #tpu.memory_space<vmem>>
      %dma_start3A_140 = tpu.memref_squeeze %dma_start3A_139 : memref<1x64xi32, #tpu.memory_space<vmem>> -> memref<64xi32, #tpu.memory_space<vmem>>
      %dma_start3A_141 = arith.constant 0 : i32
      %dma_start3A_142 = arith.constant 0 : i32
      %dma_start3A_143 = tpu.memref_slice %arg2[%dma_start3A_141, %dma_start3A_142] : memref<100000x128xf32, #tpu.memory_space<hbm>> -> memref<100000x128xf32, #tpu.memory_space<hbm>>
      tpu.enqueue_indirect_dma source(%dma_start3A_143 : memref<100000x128xf32, #tpu.memory_space<hbm>>) target(%arg11 : memref<64x128xf32, #tpu.memory_space<vmem>>) offsets(%dma_start3A_140 : memref<64xi32, #tpu.memory_space<vmem>>) semaphore(%arg21 : memref<!tpu.dma_semaphore, #tpu.memory_space<semaphore_mem>>)
      %gt3A_144 = arith.constant 0 : i32
      %gt3A_145 = arith.cmpi sgt, %scan3A_67, %gt3A_144 : i32
      %convert_element_type3A_146 = arith.extui %gt3A_145 : i1 to i32
      %cond3A_147 = arith.constant 0 : i32
      %cond3A_148 = arith.cmpi ne, %convert_element_type3A_146, %cond3A_147 : i32
      scf.if %cond3A_148 {
        %add3A_366 = arith.constant 6 : i32
        %add3A_367 = arith.addi %mul3A_69, %add3A_366 : i32
        %sub3A = arith.constant 10 : i32
        %sub3A_368 = arith.subi %add3A_367, %sub3A : i32
        %mul3A_369 = arith.constant 64 : i32
        %mul3A_370 = arith.muli %sub3A_368, %mul3A_369 : i32
        %add3A_371 = arith.addi %mul3A_2, %mul3A_370 : i32
        %dma_wait3A_372 = arith.constant 0 : i32
        %dma_wait3A_373 = tpu.memref_slice %arg4[%add3A_371, %dma_wait3A_372] : memref<204800x128xf32, #tpu.memory_space<hbm>> -> memref<64x128xf32, #tpu.memory_space<hbm>>
        %dma_wait3A_374 = arith.constant 0 : i32
        %dma_wait3A_375 = tpu.memref_slice %arg4[%add3A_371, %dma_wait3A_374] : memref<204800x128xf32, #tpu.memory_space<hbm>> -> memref<64x128xf32, #tpu.memory_space<hbm>>
        tpu.wait_dma2 semaphore(%arg32 : memref<!tpu.dma_semaphore, #tpu.memory_space<semaphore_mem>>) src(%arg12 : memref<64x128xf32, #tpu.memory_space<vmem>>) dst(%dma_wait3A_375 : memref<64x128xf32, #tpu.memory_space<hbm>>)
      } else {
      }
      %add3A_149 = arith.constant 6 : i32
      %add3A_150 = arith.addi %mul3A_69, %add3A_149 : i32
      %dma_start3A_151 = arith.constant 0 : i32
      %dma_start3A_152 = tpu.memref_slice %arg5[%add3A_150, %dma_start3A_151] : memref<100x64xi32, #tpu.memory_space<vmem>> -> memref<1x64xi32, #tpu.memory_space<vmem>>
      %dma_start3A_153 = tpu.memref_squeeze %dma_start3A_152 : memref<1x64xi32, #tpu.memory_space<vmem>> -> memref<64xi32, #tpu.memory_space<vmem>>
      %dma_start3A_154 = arith.constant 0 : i32
      %dma_start3A_155 = arith.constant 0 : i32
      %dma_start3A_156 = tpu.memref_slice %arg2[%dma_start3A_154, %dma_start3A_155] : memref<100000x128xf32, #tpu.memory_space<hbm>> -> memref<100000x128xf32, #tpu.memory_space<hbm>>
      tpu.enqueue_indirect_dma source(%dma_start3A_156 : memref<100000x128xf32, #tpu.memory_space<hbm>>) target(%arg12 : memref<64x128xf32, #tpu.memory_space<vmem>>) offsets(%dma_start3A_153 : memref<64xi32, #tpu.memory_space<vmem>>) semaphore(%arg22 : memref<!tpu.dma_semaphore, #tpu.memory_space<semaphore_mem>>)
      %gt3A_157 = arith.constant 0 : i32
      %gt3A_158 = arith.cmpi sgt, %scan3A_67, %gt3A_157 : i32
      %convert_element_type3A_159 = arith.extui %gt3A_158 : i1 to i32
      %cond3A_160 = arith.constant 0 : i32
      %cond3A_161 = arith.cmpi ne, %convert_element_type3A_159, %cond3A_160 : i32
      scf.if %cond3A_161 {
        %add3A_366 = arith.constant 7 : i32
        %add3A_367 = arith.addi %mul3A_69, %add3A_366 : i32
        %sub3A = arith.constant 10 : i32
        %sub3A_368 = arith.subi %add3A_367, %sub3A : i32
        %mul3A_369 = arith.constant 64 : i32
        %mul3A_370 = arith.muli %sub3A_368, %mul3A_369 : i32
        %add3A_371 = arith.addi %mul3A_2, %mul3A_370 : i32
        %dma_wait3A_372 = arith.constant 0 : i32
        %dma_wait3A_373 = tpu.memref_slice %arg4[%add3A_371, %dma_wait3A_372] : memref<204800x128xf32, #tpu.memory_space<hbm>> -> memref<64x128xf32, #tpu.memory_space<hbm>>
        %dma_wait3A_374 = arith.constant 0 : i32
        %dma_wait3A_375 = tpu.memref_slice %arg4[%add3A_371, %dma_wait3A_374] : memref<204800x128xf32, #tpu.memory_space<hbm>> -> memref<64x128xf32, #tpu.memory_space<hbm>>
        tpu.wait_dma2 semaphore(%arg33 : memref<!tpu.dma_semaphore, #tpu.memory_space<semaphore_mem>>) src(%arg13 : memref<64x128xf32, #tpu.memory_space<vmem>>) dst(%dma_wait3A_375 : memref<64x128xf32, #tpu.memory_space<hbm>>)
      } else {
      }
      %add3A_162 = arith.constant 7 : i32
      %add3A_163 = arith.addi %mul3A_69, %add3A_162 : i32
      %dma_start3A_164 = arith.constant 0 : i32
      %dma_start3A_165 = tpu.memref_slice %arg5[%add3A_163, %dma_start3A_164] : memref<100x64xi32, #tpu.memory_space<vmem>> -> memref<1x64xi32, #tpu.memory_space<vmem>>
      %dma_start3A_166 = tpu.memref_squeeze %dma_start3A_165 : memref<1x64xi32, #tpu.memory_space<vmem>> -> memref<64xi32, #tpu.memory_space<vmem>>
      %dma_start3A_167 = arith.constant 0 : i32
      %dma_start3A_168 = arith.constant 0 : i32
      %dma_start3A_169 = tpu.memref_slice %arg2[%dma_start3A_167, %dma_start3A_168] : memref<100000x128xf32, #tpu.memory_space<hbm>> -> memref<100000x128xf32, #tpu.memory_space<hbm>>
      tpu.enqueue_indirect_dma source(%dma_start3A_169 : memref<100000x128xf32, #tpu.memory_space<hbm>>) target(%arg13 : memref<64x128xf32, #tpu.memory_space<vmem>>) offsets(%dma_start3A_166 : memref<64xi32, #tpu.memory_space<vmem>>) semaphore(%arg23 : memref<!tpu.dma_semaphore, #tpu.memory_space<semaphore_mem>>)
      %gt3A_170 = arith.constant 0 : i32
      %gt3A_171 = arith.cmpi sgt, %scan3A_67, %gt3A_170 : i32
      %convert_element_type3A_172 = arith.extui %gt3A_171 : i1 to i32
      %cond3A_173 = arith.constant 0 : i32
      %cond3A_174 = arith.cmpi ne, %convert_element_type3A_172, %cond3A_173 : i32
      scf.if %cond3A_174 {
        %add3A_366 = arith.constant 8 : i32
        %add3A_367 = arith.addi %mul3A_69, %add3A_366 : i32
        %sub3A = arith.constant 10 : i32
        %sub3A_368 = arith.subi %add3A_367, %sub3A : i32
        %mul3A_369 = arith.constant 64 : i32
        %mul3A_370 = arith.muli %sub3A_368, %mul3A_369 : i32
        %add3A_371 = arith.addi %mul3A_2, %mul3A_370 : i32
        %dma_wait3A_372 = arith.constant 0 : i32
        %dma_wait3A_373 = tpu.memref_slice %arg4[%add3A_371, %dma_wait3A_372] : memref<204800x128xf32, #tpu.memory_space<hbm>> -> memref<64x128xf32, #tpu.memory_space<hbm>>
        %dma_wait3A_374 = arith.constant 0 : i32
        %dma_wait3A_375 = tpu.memref_slice %arg4[%add3A_371, %dma_wait3A_374] : memref<204800x128xf32, #tpu.memory_space<hbm>> -> memref<64x128xf32, #tpu.memory_space<hbm>>
        tpu.wait_dma2 semaphore(%arg34 : memref<!tpu.dma_semaphore, #tpu.memory_space<semaphore_mem>>) src(%arg14 : memref<64x128xf32, #tpu.memory_space<vmem>>) dst(%dma_wait3A_375 : memref<64x128xf32, #tpu.memory_space<hbm>>)
      } else {
      }
      %add3A_175 = arith.constant 8 : i32
      %add3A_176 = arith.addi %mul3A_69, %add3A_175 : i32
      %dma_start3A_177 = arith.constant 0 : i32
      %dma_start3A_178 = tpu.memref_slice %arg5[%add3A_176, %dma_start3A_177] : memref<100x64xi32, #tpu.memory_space<vmem>> -> memref<1x64xi32, #tpu.memory_space<vmem>>
      %dma_start3A_179 = tpu.memref_squeeze %dma_start3A_178 : memref<1x64xi32, #tpu.memory_space<vmem>> -> memref<64xi32, #tpu.memory_space<vmem>>
      %dma_start3A_180 = arith.constant 0 : i32
      %dma_start3A_181 = arith.constant 0 : i32
      %dma_start3A_182 = tpu.memref_slice %arg2[%dma_start3A_180, %dma_start3A_181] : memref<100000x128xf32, #tpu.memory_space<hbm>> -> memref<100000x128xf32, #tpu.memory_space<hbm>>
      tpu.enqueue_indirect_dma source(%dma_start3A_182 : memref<100000x128xf32, #tpu.memory_space<hbm>>) target(%arg14 : memref<64x128xf32, #tpu.memory_space<vmem>>) offsets(%dma_start3A_179 : memref<64xi32, #tpu.memory_space<vmem>>) semaphore(%arg24 : memref<!tpu.dma_semaphore, #tpu.memory_space<semaphore_mem>>)
      %gt3A_183 = arith.constant 0 : i32
      %gt3A_184 = arith.cmpi sgt, %scan3A_67, %gt3A_183 : i32
      %convert_element_type3A_185 = arith.extui %gt3A_184 : i1 to i32
      %cond3A_186 = arith.constant 0 : i32
      %cond3A_187 = arith.cmpi ne, %convert_element_type3A_185, %cond3A_186 : i32
      scf.if %cond3A_187 {
        %add3A_366 = arith.constant 9 : i32
        %add3A_367 = arith.addi %mul3A_69, %add3A_366 : i32
        %sub3A = arith.constant 10 : i32
        %sub3A_368 = arith.subi %add3A_367, %sub3A : i32
        %mul3A_369 = arith.constant 64 : i32
        %mul3A_370 = arith.muli %sub3A_368, %mul3A_369 : i32
        %add3A_371 = arith.addi %mul3A_2, %mul3A_370 : i32
        %dma_wait3A_372 = arith.constant 0 : i32
        %dma_wait3A_373 = tpu.memref_slice %arg4[%add3A_371, %dma_wait3A_372] : memref<204800x128xf32, #tpu.memory_space<hbm>> -> memref<64x128xf32, #tpu.memory_space<hbm>>
        %dma_wait3A_374 = arith.constant 0 : i32
        %dma_wait3A_375 = tpu.memref_slice %arg4[%add3A_371, %dma_wait3A_374] : memref<204800x128xf32, #tpu.memory_space<hbm>> -> memref<64x128xf32, #tpu.memory_space<hbm>>
        tpu.wait_dma2 semaphore(%arg35 : memref<!tpu.dma_semaphore, #tpu.memory_space<semaphore_mem>>) src(%arg15 : memref<64x128xf32, #tpu.memory_space<vmem>>) dst(%dma_wait3A_375 : memref<64x128xf32, #tpu.memory_space<hbm>>)
      } else {
      }
      %add3A_188 = arith.constant 9 : i32
      %add3A_189 = arith.addi %mul3A_69, %add3A_188 : i32
      %dma_start3A_190 = arith.constant 0 : i32
      %dma_start3A_191 = tpu.memref_slice %arg5[%add3A_189, %dma_start3A_190] : memref<100x64xi32, #tpu.memory_space<vmem>> -> memref<1x64xi32, #tpu.memory_space<vmem>>
      %dma_start3A_192 = tpu.memref_squeeze %dma_start3A_191 : memref<1x64xi32, #tpu.memory_space<vmem>> -> memref<64xi32, #tpu.memory_space<vmem>>
      %dma_start3A_193 = arith.constant 0 : i32
      %dma_start3A_194 = arith.constant 0 : i32
      %dma_start3A_195 = tpu.memref_slice %arg2[%dma_start3A_193, %dma_start3A_194] : memref<100000x128xf32, #tpu.memory_space<hbm>> -> memref<100000x128xf32, #tpu.memory_space<hbm>>
      tpu.enqueue_indirect_dma source(%dma_start3A_195 : memref<100000x128xf32, #tpu.memory_space<hbm>>) target(%arg15 : memref<64x128xf32, #tpu.memory_space<vmem>>) offsets(%dma_start3A_192 : memref<64xi32, #tpu.memory_space<vmem>>) semaphore(%arg25 : memref<!tpu.dma_semaphore, #tpu.memory_space<semaphore_mem>>)
      %add3A_196 = arith.constant 0 : i32
      %add3A_197 = arith.addi %mul3A_69, %add3A_196 : i32
      %dma_wait3A_198 = arith.constant 0 : i32
      %dma_wait3A_199 = tpu.memref_slice %arg5[%add3A_197, %dma_wait3A_198] : memref<100x64xi32, #tpu.memory_space<vmem>> -> memref<1x64xi32, #tpu.memory_space<vmem>>
      %dma_wait3A_200 = tpu.memref_squeeze %dma_wait3A_199 : memref<1x64xi32, #tpu.memory_space<vmem>> -> memref<64xi32, #tpu.memory_space<vmem>>
      %dma_wait3A_201 = arith.constant 0 : i32
      %dma_wait3A_202 = arith.constant 0 : i32
      %dma_wait3A_203 = tpu.memref_slice %arg2[%dma_wait3A_201, %dma_wait3A_202] : memref<100000x128xf32, #tpu.memory_space<hbm>> -> memref<100000x128xf32, #tpu.memory_space<hbm>>
      tpu.wait_indirect_dma semaphore(%arg16 : memref<!tpu.dma_semaphore, #tpu.memory_space<semaphore_mem>>) src(%dma_wait3A_203 : memref<100000x128xf32, #tpu.memory_space<hbm>>) dst(%arg6 : memref<64x128xf32, #tpu.memory_space<vmem>>)
      %add3A_204 = arith.constant 0 : i32
      %add3A_205 = arith.addi %mul3A_69, %add3A_204 : i32
      %mul3A_206 = arith.constant 64 : i32
      %mul3A_207 = arith.muli %add3A_205, %mul3A_206 : i32
      %add3A_208 = arith.addi %mul3A_2, %mul3A_207 : i32
      %dma_start3A_209 = arith.constant 0 : i32
      %dma_start3A_210 = tpu.memref_slice %arg4[%add3A_208, %dma_start3A_209] : memref<204800x128xf32, #tpu.memory_space<hbm>> -> memref<64x128xf32, #tpu.memory_space<hbm>>
      %dma_start3A_211 = arith.constant 0 : i32
      %dma_start3A_212 = tpu.memref_slice %arg4[%add3A_208, %dma_start3A_211] : memref<204800x128xf32, #tpu.memory_space<hbm>> -> memref<64x128xf32, #tpu.memory_space<hbm>>
      tpu.enqueue_dma source(%arg6 : memref<64x128xf32, #tpu.memory_space<vmem>>) target(%dma_start3A_212 : memref<64x128xf32, #tpu.memory_space<hbm>>) target_semaphore(%arg26 : memref<!tpu.dma_semaphore, #tpu.memory_space<semaphore_mem>>)
      %add3A_213 = arith.constant 1 : i32
      %add3A_214 = arith.addi %mul3A_69, %add3A_213 : i32
      %dma_wait3A_215 = arith.constant 0 : i32
      %dma_wait3A_216 = tpu.memref_slice %arg5[%add3A_214, %dma_wait3A_215] : memref<100x64xi32, #tpu.memory_space<vmem>> -> memref<1x64xi32, #tpu.memory_space<vmem>>
      %dma_wait3A_217 = tpu.memref_squeeze %dma_wait3A_216 : memref<1x64xi32, #tpu.memory_space<vmem>> -> memref<64xi32, #tpu.memory_space<vmem>>
      %dma_wait3A_218 = arith.constant 0 : i32
      %dma_wait3A_219 = arith.constant 0 : i32
      %dma_wait3A_220 = tpu.memref_slice %arg2[%dma_wait3A_218, %dma_wait3A_219] : memref<100000x128xf32, #tpu.memory_space<hbm>> -> memref<100000x128xf32, #tpu.memory_space<hbm>>
      tpu.wait_indirect_dma semaphore(%arg17 : memref<!tpu.dma_semaphore, #tpu.memory_space<semaphore_mem>>) src(%dma_wait3A_220 : memref<100000x128xf32, #tpu.memory_space<hbm>>) dst(%arg7 : memref<64x128xf32, #tpu.memory_space<vmem>>)
      %add3A_221 = arith.constant 1 : i32
      %add3A_222 = arith.addi %mul3A_69, %add3A_221 : i32
      %mul3A_223 = arith.constant 64 : i32
      %mul3A_224 = arith.muli %add3A_222, %mul3A_223 : i32
      %add3A_225 = arith.addi %mul3A_2, %mul3A_224 : i32
      %dma_start3A_226 = arith.constant 0 : i32
      %dma_start3A_227 = tpu.memref_slice %arg4[%add3A_225, %dma_start3A_226] : memref<204800x128xf32, #tpu.memory_space<hbm>> -> memref<64x128xf32, #tpu.memory_space<hbm>>
      %dma_start3A_228 = arith.constant 0 : i32
      %dma_start3A_229 = tpu.memref_slice %arg4[%add3A_225, %dma_start3A_228] : memref<204800x128xf32, #tpu.memory_space<hbm>> -> memref<64x128xf32, #tpu.memory_space<hbm>>
      tpu.enqueue_dma source(%arg7 : memref<64x128xf32, #tpu.memory_space<vmem>>) target(%dma_start3A_229 : memref<64x128xf32, #tpu.memory_space<hbm>>) target_semaphore(%arg27 : memref<!tpu.dma_semaphore, #tpu.memory_space<semaphore_mem>>)
      %add3A_230 = arith.constant 2 : i32
      %add3A_231 = arith.addi %mul3A_69, %add3A_230 : i32
      %dma_wait3A_232 = arith.constant 0 : i32
      %dma_wait3A_233 = tpu.memref_slice %arg5[%add3A_231, %dma_wait3A_232] : memref<100x64xi32, #tpu.memory_space<vmem>> -> memref<1x64xi32, #tpu.memory_space<vmem>>
      %dma_wait3A_234 = tpu.memref_squeeze %dma_wait3A_233 : memref<1x64xi32, #tpu.memory_space<vmem>> -> memref<64xi32, #tpu.memory_space<vmem>>
      %dma_wait3A_235 = arith.constant 0 : i32
      %dma_wait3A_236 = arith.constant 0 : i32
      %dma_wait3A_237 = tpu.memref_slice %arg2[%dma_wait3A_235, %dma_wait3A_236] : memref<100000x128xf32, #tpu.memory_space<hbm>> -> memref<100000x128xf32, #tpu.memory_space<hbm>>
      tpu.wait_indirect_dma semaphore(%arg18 : memref<!tpu.dma_semaphore, #tpu.memory_space<semaphore_mem>>) src(%dma_wait3A_237 : memref<100000x128xf32, #tpu.memory_space<hbm>>) dst(%arg8 : memref<64x128xf32, #tpu.memory_space<vmem>>)
      %add3A_238 = arith.constant 2 : i32
      %add3A_239 = arith.addi %mul3A_69, %add3A_238 : i32
      %mul3A_240 = arith.constant 64 : i32
      %mul3A_241 = arith.muli %add3A_239, %mul3A_240 : i32
      %add3A_242 = arith.addi %mul3A_2, %mul3A_241 : i32
      %dma_start3A_243 = arith.constant 0 : i32
      %dma_start3A_244 = tpu.memref_slice %arg4[%add3A_242, %dma_start3A_243] : memref<204800x128xf32, #tpu.memory_space<hbm>> -> memref<64x128xf32, #tpu.memory_space<hbm>>
      %dma_start3A_245 = arith.constant 0 : i32
      %dma_start3A_246 = tpu.memref_slice %arg4[%add3A_242, %dma_start3A_245] : memref<204800x128xf32, #tpu.memory_space<hbm>> -> memref<64x128xf32, #tpu.memory_space<hbm>>
      tpu.enqueue_dma source(%arg8 : memref<64x128xf32, #tpu.memory_space<vmem>>) target(%dma_start3A_246 : memref<64x128xf32, #tpu.memory_space<hbm>>) target_semaphore(%arg28 : memref<!tpu.dma_semaphore, #tpu.memory_space<semaphore_mem>>)
      %add3A_247 = arith.constant 3 : i32
      %add3A_248 = arith.addi %mul3A_69, %add3A_247 : i32
      %dma_wait3A_249 = arith.constant 0 : i32
      %dma_wait3A_250 = tpu.memref_slice %arg5[%add3A_248, %dma_wait3A_249] : memref<100x64xi32, #tpu.memory_space<vmem>> -> memref<1x64xi32, #tpu.memory_space<vmem>>
      %dma_wait3A_251 = tpu.memref_squeeze %dma_wait3A_250 : memref<1x64xi32, #tpu.memory_space<vmem>> -> memref<64xi32, #tpu.memory_space<vmem>>
      %dma_wait3A_252 = arith.constant 0 : i32
      %dma_wait3A_253 = arith.constant 0 : i32
      %dma_wait3A_254 = tpu.memref_slice %arg2[%dma_wait3A_252, %dma_wait3A_253] : memref<100000x128xf32, #tpu.memory_space<hbm>> -> memref<100000x128xf32, #tpu.memory_space<hbm>>
      tpu.wait_indirect_dma semaphore(%arg19 : memref<!tpu.dma_semaphore, #tpu.memory_space<semaphore_mem>>) src(%dma_wait3A_254 : memref<100000x128xf32, #tpu.memory_space<hbm>>) dst(%arg9 : memref<64x128xf32, #tpu.memory_space<vmem>>)
      %add3A_255 = arith.constant 3 : i32
      %add3A_256 = arith.addi %mul3A_69, %add3A_255 : i32
      %mul3A_257 = arith.constant 64 : i32
      %mul3A_258 = arith.muli %add3A_256, %mul3A_257 : i32
      %add3A_259 = arith.addi %mul3A_2, %mul3A_258 : i32
      %dma_start3A_260 = arith.constant 0 : i32
      %dma_start3A_261 = tpu.memref_slice %arg4[%add3A_259, %dma_start3A_260] : memref<204800x128xf32, #tpu.memory_space<hbm>> -> memref<64x128xf32, #tpu.memory_space<hbm>>
      %dma_start3A_262 = arith.constant 0 : i32
      %dma_start3A_263 = tpu.memref_slice %arg4[%add3A_259, %dma_start3A_262] : memref<204800x128xf32, #tpu.memory_space<hbm>> -> memref<64x128xf32, #tpu.memory_space<hbm>>
      tpu.enqueue_dma source(%arg9 : memref<64x128xf32, #tpu.memory_space<vmem>>) target(%dma_start3A_263 : memref<64x128xf32, #tpu.memory_space<hbm>>) target_semaphore(%arg29 : memref<!tpu.dma_semaphore, #tpu.memory_space<semaphore_mem>>)
      %add3A_264 = arith.constant 4 : i32
      %add3A_265 = arith.addi %mul3A_69, %add3A_264 : i32
      %dma_wait3A_266 = arith.constant 0 : i32
      %dma_wait3A_267 = tpu.memref_slice %arg5[%add3A_265, %dma_wait3A_266] : memref<100x64xi32, #tpu.memory_space<vmem>> -> memref<1x64xi32, #tpu.memory_space<vmem>>
      %dma_wait3A_268 = tpu.memref_squeeze %dma_wait3A_267 : memref<1x64xi32, #tpu.memory_space<vmem>> -> memref<64xi32, #tpu.memory_space<vmem>>
      %dma_wait3A_269 = arith.constant 0 : i32
      %dma_wait3A_270 = arith.constant 0 : i32
      %dma_wait3A_271 = tpu.memref_slice %arg2[%dma_wait3A_269, %dma_wait3A_270] : memref<100000x128xf32, #tpu.memory_space<hbm>> -> memref<100000x128xf32, #tpu.memory_space<hbm>>
      tpu.wait_indirect_dma semaphore(%arg20 : memref<!tpu.dma_semaphore, #tpu.memory_space<semaphore_mem>>) src(%dma_wait3A_271 : memref<100000x128xf32, #tpu.memory_space<hbm>>) dst(%arg10 : memref<64x128xf32, #tpu.memory_space<vmem>>)
      %add3A_272 = arith.constant 4 : i32
      %add3A_273 = arith.addi %mul3A_69, %add3A_272 : i32
      %mul3A_274 = arith.constant 64 : i32
      %mul3A_275 = arith.muli %add3A_273, %mul3A_274 : i32
      %add3A_276 = arith.addi %mul3A_2, %mul3A_275 : i32
      %dma_start3A_277 = arith.constant 0 : i32
      %dma_start3A_278 = tpu.memref_slice %arg4[%add3A_276, %dma_start3A_277] : memref<204800x128xf32, #tpu.memory_space<hbm>> -> memref<64x128xf32, #tpu.memory_space<hbm>>
      %dma_start3A_279 = arith.constant 0 : i32
      %dma_start3A_280 = tpu.memref_slice %arg4[%add3A_276, %dma_start3A_279] : memref<204800x128xf32, #tpu.memory_space<hbm>> -> memref<64x128xf32, #tpu.memory_space<hbm>>
      tpu.enqueue_dma source(%arg10 : memref<64x128xf32, #tpu.memory_space<vmem>>) target(%dma_start3A_280 : memref<64x128xf32, #tpu.memory_space<hbm>>) target_semaphore(%arg30 : memref<!tpu.dma_semaphore, #tpu.memory_space<semaphore_mem>>)
      %add3A_281 = arith.constant 5 : i32
      %add3A_282 = arith.addi %mul3A_69, %add3A_281 : i32
      %dma_wait3A_283 = arith.constant 0 : i32
      %dma_wait3A_284 = tpu.memref_slice %arg5[%add3A_282, %dma_wait3A_283] : memref<100x64xi32, #tpu.memory_space<vmem>> -> memref<1x64xi32, #tpu.memory_space<vmem>>
      %dma_wait3A_285 = tpu.memref_squeeze %dma_wait3A_284 : memref<1x64xi32, #tpu.memory_space<vmem>> -> memref<64xi32, #tpu.memory_space<vmem>>
      %dma_wait3A_286 = arith.constant 0 : i32
      %dma_wait3A_287 = arith.constant 0 : i32
      %dma_wait3A_288 = tpu.memref_slice %arg2[%dma_wait3A_286, %dma_wait3A_287] : memref<100000x128xf32, #tpu.memory_space<hbm>> -> memref<100000x128xf32, #tpu.memory_space<hbm>>
      tpu.wait_indirect_dma semaphore(%arg21 : memref<!tpu.dma_semaphore, #tpu.memory_space<semaphore_mem>>) src(%dma_wait3A_288 : memref<100000x128xf32, #tpu.memory_space<hbm>>) dst(%arg11 : memref<64x128xf32, #tpu.memory_space<vmem>>)
      %add3A_289 = arith.constant 5 : i32
      %add3A_290 = arith.addi %mul3A_69, %add3A_289 : i32
      %mul3A_291 = arith.constant 64 : i32
      %mul3A_292 = arith.muli %add3A_290, %mul3A_291 : i32
      %add3A_293 = arith.addi %mul3A_2, %mul3A_292 : i32
      %dma_start3A_294 = arith.constant 0 : i32
      %dma_start3A_295 = tpu.memref_slice %arg4[%add3A_293, %dma_start3A_294] : memref<204800x128xf32, #tpu.memory_space<hbm>> -> memref<64x128xf32, #tpu.memory_space<hbm>>
      %dma_start3A_296 = arith.constant 0 : i32
      %dma_start3A_297 = tpu.memref_slice %arg4[%add3A_293, %dma_start3A_296] : memref<204800x128xf32, #tpu.memory_space<hbm>> -> memref<64x128xf32, #tpu.memory_space<hbm>>
      tpu.enqueue_dma source(%arg11 : memref<64x128xf32, #tpu.memory_space<vmem>>) target(%dma_start3A_297 : memref<64x128xf32, #tpu.memory_space<hbm>>) target_semaphore(%arg31 : memref<!tpu.dma_semaphore, #tpu.memory_space<semaphore_mem>>)
      %add3A_298 = arith.constant 6 : i32
      %add3A_299 = arith.addi %mul3A_69, %add3A_298 : i32
      %dma_wait3A_300 = arith.constant 0 : i32
      %dma_wait3A_301 = tpu.memref_slice %arg5[%add3A_299, %dma_wait3A_300] : memref<100x64xi32, #tpu.memory_space<vmem>> -> memref<1x64xi32, #tpu.memory_space<vmem>>
      %dma_wait3A_302 = tpu.memref_squeeze %dma_wait3A_301 : memref<1x64xi32, #tpu.memory_space<vmem>> -> memref<64xi32, #tpu.memory_space<vmem>>
      %dma_wait3A_303 = arith.constant 0 : i32
      %dma_wait3A_304 = arith.constant 0 : i32
      %dma_wait3A_305 = tpu.memref_slice %arg2[%dma_wait3A_303, %dma_wait3A_304] : memref<100000x128xf32, #tpu.memory_space<hbm>> -> memref<100000x128xf32, #tpu.memory_space<hbm>>
      tpu.wait_indirect_dma semaphore(%arg22 : memref<!tpu.dma_semaphore, #tpu.memory_space<semaphore_mem>>) src(%dma_wait3A_305 : memref<100000x128xf32, #tpu.memory_space<hbm>>) dst(%arg12 : memref<64x128xf32, #tpu.memory_space<vmem>>)
      %add3A_306 = arith.constant 6 : i32
      %add3A_307 = arith.addi %mul3A_69, %add3A_306 : i32
      %mul3A_308 = arith.constant 64 : i32
      %mul3A_309 = arith.muli %add3A_307, %mul3A_308 : i32
      %add3A_310 = arith.addi %mul3A_2, %mul3A_309 : i32
      %dma_start3A_311 = arith.constant 0 : i32
      %dma_start3A_312 = tpu.memref_slice %arg4[%add3A_310, %dma_start3A_311] : memref<204800x128xf32, #tpu.memory_space<hbm>> -> memref<64x128xf32, #tpu.memory_space<hbm>>
      %dma_start3A_313 = arith.constant 0 : i32
      %dma_start3A_314 = tpu.memref_slice %arg4[%add3A_310, %dma_start3A_313] : memref<204800x128xf32, #tpu.memory_space<hbm>> -> memref<64x128xf32, #tpu.memory_space<hbm>>
      tpu.enqueue_dma source(%arg12 : memref<64x128xf32, #tpu.memory_space<vmem>>) target(%dma_start3A_314 : memref<64x128xf32, #tpu.memory_space<hbm>>) target_semaphore(%arg32 : memref<!tpu.dma_semaphore, #tpu.memory_space<semaphore_mem>>)
      %add3A_315 = arith.constant 7 : i32
      %add3A_316 = arith.addi %mul3A_69, %add3A_315 : i32
      %dma_wait3A_317 = arith.constant 0 : i32
      %dma_wait3A_318 = tpu.memref_slice %arg5[%add3A_316, %dma_wait3A_317] : memref<100x64xi32, #tpu.memory_space<vmem>> -> memref<1x64xi32, #tpu.memory_space<vmem>>
      %dma_wait3A_319 = tpu.memref_squeeze %dma_wait3A_318 : memref<1x64xi32, #tpu.memory_space<vmem>> -> memref<64xi32, #tpu.memory_space<vmem>>
      %dma_wait3A_320 = arith.constant 0 : i32
      %dma_wait3A_321 = arith.constant 0 : i32
      %dma_wait3A_322 = tpu.memref_slice %arg2[%dma_wait3A_320, %dma_wait3A_321] : memref<100000x128xf32, #tpu.memory_space<hbm>> -> memref<100000x128xf32, #tpu.memory_space<hbm>>
      tpu.wait_indirect_dma semaphore(%arg23 : memref<!tpu.dma_semaphore, #tpu.memory_space<semaphore_mem>>) src(%dma_wait3A_322 : memref<100000x128xf32, #tpu.memory_space<hbm>>) dst(%arg13 : memref<64x128xf32, #tpu.memory_space<vmem>>)
      %add3A_323 = arith.constant 7 : i32
      %add3A_324 = arith.addi %mul3A_69, %add3A_323 : i32
      %mul3A_325 = arith.constant 64 : i32
      %mul3A_326 = arith.muli %add3A_324, %mul3A_325 : i32
      %add3A_327 = arith.addi %mul3A_2, %mul3A_326 : i32
      %dma_start3A_328 = arith.constant 0 : i32
      %dma_start3A_329 = tpu.memref_slice %arg4[%add3A_327, %dma_start3A_328] : memref<204800x128xf32, #tpu.memory_space<hbm>> -> memref<64x128xf32, #tpu.memory_space<hbm>>
      %dma_start3A_330 = arith.constant 0 : i32
      %dma_start3A_331 = tpu.memref_slice %arg4[%add3A_327, %dma_start3A_330] : memref<204800x128xf32, #tpu.memory_space<hbm>> -> memref<64x128xf32, #tpu.memory_space<hbm>>
      tpu.enqueue_dma source(%arg13 : memref<64x128xf32, #tpu.memory_space<vmem>>) target(%dma_start3A_331 : memref<64x128xf32, #tpu.memory_space<hbm>>) target_semaphore(%arg33 : memref<!tpu.dma_semaphore, #tpu.memory_space<semaphore_mem>>)
      %add3A_332 = arith.constant 8 : i32
      %add3A_333 = arith.addi %mul3A_69, %add3A_332 : i32
      %dma_wait3A_334 = arith.constant 0 : i32
      %dma_wait3A_335 = tpu.memref_slice %arg5[%add3A_333, %dma_wait3A_334] : memref<100x64xi32, #tpu.memory_space<vmem>> -> memref<1x64xi32, #tpu.memory_space<vmem>>
      %dma_wait3A_336 = tpu.memref_squeeze %dma_wait3A_335 : memref<1x64xi32, #tpu.memory_space<vmem>> -> memref<64xi32, #tpu.memory_space<vmem>>
      %dma_wait3A_337 = arith.constant 0 : i32
      %dma_wait3A_338 = arith.constant 0 : i32
      %dma_wait3A_339 = tpu.memref_slice %arg2[%dma_wait3A_337, %dma_wait3A_338] : memref<100000x128xf32, #tpu.memory_space<hbm>> -> memref<100000x128xf32, #tpu.memory_space<hbm>>
      tpu.wait_indirect_dma semaphore(%arg24 : memref<!tpu.dma_semaphore, #tpu.memory_space<semaphore_mem>>) src(%dma_wait3A_339 : memref<100000x128xf32, #tpu.memory_space<hbm>>) dst(%arg14 : memref<64x128xf32, #tpu.memory_space<vmem>>)
      %add3A_340 = arith.constant 8 : i32
      %add3A_341 = arith.addi %mul3A_69, %add3A_340 : i32
      %mul3A_342 = arith.constant 64 : i32
      %mul3A_343 = arith.muli %add3A_341, %mul3A_342 : i32
      %add3A_344 = arith.addi %mul3A_2, %mul3A_343 : i32
      %dma_start3A_345 = arith.constant 0 : i32
      %dma_start3A_346 = tpu.memref_slice %arg4[%add3A_344, %dma_start3A_345] : memref<204800x128xf32, #tpu.memory_space<hbm>> -> memref<64x128xf32, #tpu.memory_space<hbm>>
      %dma_start3A_347 = arith.constant 0 : i32
      %dma_start3A_348 = tpu.memref_slice %arg4[%add3A_344, %dma_start3A_347] : memref<204800x128xf32, #tpu.memory_space<hbm>> -> memref<64x128xf32, #tpu.memory_space<hbm>>
      tpu.enqueue_dma source(%arg14 : memref<64x128xf32, #tpu.memory_space<vmem>>) target(%dma_start3A_348 : memref<64x128xf32, #tpu.memory_space<hbm>>) target_semaphore(%arg34 : memref<!tpu.dma_semaphore, #tpu.memory_space<semaphore_mem>>)
      %add3A_349 = arith.constant 9 : i32
      %add3A_350 = arith.addi %mul3A_69, %add3A_349 : i32
      %dma_wait3A_351 = arith.constant 0 : i32
      %dma_wait3A_352 = tpu.memref_slice %arg5[%add3A_350, %dma_wait3A_351] : memref<100x64xi32, #tpu.memory_space<vmem>> -> memref<1x64xi32, #tpu.memory_space<vmem>>
      %dma_wait3A_353 = tpu.memref_squeeze %dma_wait3A_352 : memref<1x64xi32, #tpu.memory_space<vmem>> -> memref<64xi32, #tpu.memory_space<vmem>>
      %dma_wait3A_354 = arith.constant 0 : i32
      %dma_wait3A_355 = arith.constant 0 : i32
      %dma_wait3A_356 = tpu.memref_slice %arg2[%dma_wait3A_354, %dma_wait3A_355] : memref<100000x128xf32, #tpu.memory_space<hbm>> -> memref<100000x128xf32, #tpu.memory_space<hbm>>
      tpu.wait_indirect_dma semaphore(%arg25 : memref<!tpu.dma_semaphore, #tpu.memory_space<semaphore_mem>>) src(%dma_wait3A_356 : memref<100000x128xf32, #tpu.memory_space<hbm>>) dst(%arg15 : memref<64x128xf32, #tpu.memory_space<vmem>>)
      %add3A_357 = arith.constant 9 : i32
      %add3A_358 = arith.addi %mul3A_69, %add3A_357 : i32
      %mul3A_359 = arith.constant 64 : i32
      %mul3A_360 = arith.muli %add3A_358, %mul3A_359 : i32
      %add3A_361 = arith.addi %mul3A_2, %mul3A_360 : i32
      %dma_start3A_362 = arith.constant 0 : i32
      %dma_start3A_363 = tpu.memref_slice %arg4[%add3A_361, %dma_start3A_362] : memref<204800x128xf32, #tpu.memory_space<hbm>> -> memref<64x128xf32, #tpu.memory_space<hbm>>
      %dma_start3A_364 = arith.constant 0 : i32
      %dma_start3A_365 = tpu.memref_slice %arg4[%add3A_361, %dma_start3A_364] : memref<204800x128xf32, #tpu.memory_space<hbm>> -> memref<64x128xf32, #tpu.memory_space<hbm>>
      tpu.enqueue_dma source(%arg15 : memref<64x128xf32, #tpu.memory_space<vmem>>) target(%dma_start3A_365 : memref<64x128xf32, #tpu.memory_space<hbm>>) target_semaphore(%arg35 : memref<!tpu.dma_semaphore, #tpu.memory_space<semaphore_mem>>)
    }
    %scan3A_7 = arith.constant 10 : i32
    %add3A_8 = arith.constant 5760 : i32
    %add3A_9 = arith.addi %mul3A_2, %add3A_8 : i32
    %dma_wait3A = arith.constant 0 : i32
    %dma_wait3A_10 = tpu.memref_slice %arg4[%add3A_9, %dma_wait3A] : memref<204800x128xf32, #tpu.memory_space<hbm>> -> memref<64x128xf32, #tpu.memory_space<hbm>>
    %dma_wait3A_11 = arith.constant 0 : i32
    %dma_wait3A_12 = tpu.memref_slice %arg4[%add3A_9, %dma_wait3A_11] : memref<204800x128xf32, #tpu.memory_space<hbm>> -> memref<64x128xf32, #tpu.memory_space<hbm>>
    tpu.wait_dma2 semaphore(%arg26 : memref<!tpu.dma_semaphore, #tpu.memory_space<semaphore_mem>>) src(%arg6 : memref<64x128xf32, #tpu.memory_space<vmem>>) dst(%dma_wait3A_12 : memref<64x128xf32, #tpu.memory_space<hbm>>)
    %add3A_13 = arith.constant 5824 : i32
    %add3A_14 = arith.addi %mul3A_2, %add3A_13 : i32
    %dma_wait3A_15 = arith.constant 0 : i32
    %dma_wait3A_16 = tpu.memref_slice %arg4[%add3A_14, %dma_wait3A_15] : memref<204800x128xf32, #tpu.memory_space<hbm>> -> memref<64x128xf32, #tpu.memory_space<hbm>>
    %dma_wait3A_17 = arith.constant 0 : i32
    %dma_wait3A_18 = tpu.memref_slice %arg4[%add3A_14, %dma_wait3A_17] : memref<204800x128xf32, #tpu.memory_space<hbm>> -> memref<64x128xf32, #tpu.memory_space<hbm>>
    tpu.wait_dma2 semaphore(%arg27 : memref<!tpu.dma_semaphore, #tpu.memory_space<semaphore_mem>>) src(%arg7 : memref<64x128xf32, #tpu.memory_space<vmem>>) dst(%dma_wait3A_18 : memref<64x128xf32, #tpu.memory_space<hbm>>)
    %add3A_19 = arith.constant 5888 : i32
    %add3A_20 = arith.addi %mul3A_2, %add3A_19 : i32
    %dma_wait3A_21 = arith.constant 0 : i32
    %dma_wait3A_22 = tpu.memref_slice %arg4[%add3A_20, %dma_wait3A_21] : memref<204800x128xf32, #tpu.memory_space<hbm>> -> memref<64x128xf32, #tpu.memory_space<hbm>>
    %dma_wait3A_23 = arith.constant 0 : i32
    %dma_wait3A_24 = tpu.memref_slice %arg4[%add3A_20, %dma_wait3A_23] : memref<204800x128xf32, #tpu.memory_space<hbm>> -> memref<64x128xf32, #tpu.memory_space<hbm>>
    tpu.wait_dma2 semaphore(%arg28 : memref<!tpu.dma_semaphore, #tpu.memory_space<semaphore_mem>>) src(%arg8 : memref<64x128xf32, #tpu.memory_space<vmem>>) dst(%dma_wait3A_24 : memref<64x128xf32, #tpu.memory_space<hbm>>)
    %add3A_25 = arith.constant 5952 : i32
    %add3A_26 = arith.addi %mul3A_2, %add3A_25 : i32
    %dma_wait3A_27 = arith.constant 0 : i32
    %dma_wait3A_28 = tpu.memref_slice %arg4[%add3A_26, %dma_wait3A_27] : memref<204800x128xf32, #tpu.memory_space<hbm>> -> memref<64x128xf32, #tpu.memory_space<hbm>>
    %dma_wait3A_29 = arith.constant 0 : i32
    %dma_wait3A_30 = tpu.memref_slice %arg4[%add3A_26, %dma_wait3A_29] : memref<204800x128xf32, #tpu.memory_space<hbm>> -> memref<64x128xf32, #tpu.memory_space<hbm>>
    tpu.wait_dma2 semaphore(%arg29 : memref<!tpu.dma_semaphore, #tpu.memory_space<semaphore_mem>>) src(%arg9 : memref<64x128xf32, #tpu.memory_space<vmem>>) dst(%dma_wait3A_30 : memref<64x128xf32, #tpu.memory_space<hbm>>)
    %add3A_31 = arith.constant 6016 : i32
    %add3A_32 = arith.addi %mul3A_2, %add3A_31 : i32
    %dma_wait3A_33 = arith.constant 0 : i32
    %dma_wait3A_34 = tpu.memref_slice %arg4[%add3A_32, %dma_wait3A_33] : memref<204800x128xf32, #tpu.memory_space<hbm>> -> memref<64x128xf32, #tpu.memory_space<hbm>>
    %dma_wait3A_35 = arith.constant 0 : i32
    %dma_wait3A_36 = tpu.memref_slice %arg4[%add3A_32, %dma_wait3A_35] : memref<204800x128xf32, #tpu.memory_space<hbm>> -> memref<64x128xf32, #tpu.memory_space<hbm>>
    tpu.wait_dma2 semaphore(%arg30 : memref<!tpu.dma_semaphore, #tpu.memory_space<semaphore_mem>>) src(%arg10 : memref<64x128xf32, #tpu.memory_space<vmem>>) dst(%dma_wait3A_36 : memref<64x128xf32, #tpu.memory_space<hbm>>)
    %add3A_37 = arith.constant 6080 : i32
    %add3A_38 = arith.addi %mul3A_2, %add3A_37 : i32
    %dma_wait3A_39 = arith.constant 0 : i32
    %dma_wait3A_40 = tpu.memref_slice %arg4[%add3A_38, %dma_wait3A_39] : memref<204800x128xf32, #tpu.memory_space<hbm>> -> memref<64x128xf32, #tpu.memory_space<hbm>>
    %dma_wait3A_41 = arith.constant 0 : i32
    %dma_wait3A_42 = tpu.memref_slice %arg4[%add3A_38, %dma_wait3A_41] : memref<204800x128xf32, #tpu.memory_space<hbm>> -> memref<64x128xf32, #tpu.memory_space<hbm>>
    tpu.wait_dma2 semaphore(%arg31 : memref<!tpu.dma_semaphore, #tpu.memory_space<semaphore_mem>>) src(%arg11 : memref<64x128xf32, #tpu.memory_space<vmem>>) dst(%dma_wait3A_42 : memref<64x128xf32, #tpu.memory_space<hbm>>)
    %add3A_43 = arith.constant 6144 : i32
    %add3A_44 = arith.addi %mul3A_2, %add3A_43 : i32
    %dma_wait3A_45 = arith.constant 0 : i32
    %dma_wait3A_46 = tpu.memref_slice %arg4[%add3A_44, %dma_wait3A_45] : memref<204800x128xf32, #tpu.memory_space<hbm>> -> memref<64x128xf32, #tpu.memory_space<hbm>>
    %dma_wait3A_47 = arith.constant 0 : i32
    %dma_wait3A_48 = tpu.memref_slice %arg4[%add3A_44, %dma_wait3A_47] : memref<204800x128xf32, #tpu.memory_space<hbm>> -> memref<64x128xf32, #tpu.memory_space<hbm>>
    tpu.wait_dma2 semaphore(%arg32 : memref<!tpu.dma_semaphore, #tpu.memory_space<semaphore_mem>>) src(%arg12 : memref<64x128xf32, #tpu.memory_space<vmem>>) dst(%dma_wait3A_48 : memref<64x128xf32, #tpu.memory_space<hbm>>)
    %add3A_49 = arith.constant 6208 : i32
    %add3A_50 = arith.addi %mul3A_2, %add3A_49 : i32
    %dma_wait3A_51 = arith.constant 0 : i32
    %dma_wait3A_52 = tpu.memref_slice %arg4[%add3A_50, %dma_wait3A_51] : memref<204800x128xf32, #tpu.memory_space<hbm>> -> memref<64x128xf32, #tpu.memory_space<hbm>>
    %dma_wait3A_53 = arith.constant 0 : i32
    %dma_wait3A_54 = tpu.memref_slice %arg4[%add3A_50, %dma_wait3A_53] : memref<204800x128xf32, #tpu.memory_space<hbm>> -> memref<64x128xf32, #tpu.memory_space<hbm>>
    tpu.wait_dma2 semaphore(%arg33 : memref<!tpu.dma_semaphore, #tpu.memory_space<semaphore_mem>>) src(%arg13 : memref<64x128xf32, #tpu.memory_space<vmem>>) dst(%dma_wait3A_54 : memref<64x128xf32, #tpu.memory_space<hbm>>)
    %add3A_55 = arith.constant 6272 : i32
    %add3A_56 = arith.addi %mul3A_2, %add3A_55 : i32
    %dma_wait3A_57 = arith.constant 0 : i32
    %dma_wait3A_58 = tpu.memref_slice %arg4[%add3A_56, %dma_wait3A_57] : memref<204800x128xf32, #tpu.memory_space<hbm>> -> memref<64x128xf32, #tpu.memory_space<hbm>>
    %dma_wait3A_59 = arith.constant 0 : i32
    %dma_wait3A_60 = tpu.memref_slice %arg4[%add3A_56, %dma_wait3A_59] : memref<204800x128xf32, #tpu.memory_space<hbm>> -> memref<64x128xf32, #tpu.memory_space<hbm>>
    tpu.wait_dma2 semaphore(%arg34 : memref<!tpu.dma_semaphore, #tpu.memory_space<semaphore_mem>>) src(%arg14 : memref<64x128xf32, #tpu.memory_space<vmem>>) dst(%dma_wait3A_60 : memref<64x128xf32, #tpu.memory_space<hbm>>)
    %add3A_61 = arith.constant 6336 : i32
    %add3A_62 = arith.addi %mul3A_2, %add3A_61 : i32
    %dma_wait3A_63 = arith.constant 0 : i32
    %dma_wait3A_64 = tpu.memref_slice %arg4[%add3A_62, %dma_wait3A_63] : memref<204800x128xf32, #tpu.memory_space<hbm>> -> memref<64x128xf32, #tpu.memory_space<hbm>>
    %dma_wait3A_65 = arith.constant 0 : i32
    %dma_wait3A_66 = tpu.memref_slice %arg4[%add3A_62, %dma_wait3A_65] : memref<204800x128xf32, #tpu.memory_space<hbm>> -> memref<64x128xf32, #tpu.memory_space<hbm>>
    tpu.wait_dma2 semaphore(%arg35 : memref<!tpu.dma_semaphore, #tpu.memory_space<semaphore_mem>>) src(%arg15 : memref<64x128xf32, #tpu.memory_space<vmem>>) dst(%dma_wait3A_66 : memref<64x128xf32, #tpu.memory_space<hbm>>)
    return
  }
}

</mosaic_0001>

<sc_bundles>
// kernel: kernel.3.cloned.1.call-start
scs
__scs_entry_jumppad:
0x0: {  	(pc) =	sbr.rel $0x88, $3  }
0x1: {  	(tag) =	ssettag $0x0;
	lr =	simm.s32 $0x1  }
0x2: {  	[smem:$0x3F9F] =	sst lr;
	_ =	strace $0xD0000000  }
0x3: {  	_ = 	snop  }
0x4: {  	_ = 	snop  }
0x5: {  	_ = 	snop  }
0x6: {  	_ = 	snop  }
0x7: {  	_ = 	snop  }
__scs_overlays_trampoline_lowered:
0x8: {  	[smem:$0x3FAE] =	sst s0  }
0x9: {  	[smem:$0x3FAF] =	sst s1  }
0xa: {  	[smem:$0x3FB0] =	sst s2  }
0xb: {  	[smem:$0x3FB1] =	sst s3  }
0xc: {  	[smem:$0x3FB2] =	sst s4  }
0xd: {  	[smem:$0x3FB3] =	sst s5  }
0xe: {  	[smem:$0x3FB4] =	sst s6  }
0xf: {  	[smem:$0x3FB5] =	sst s7  }
0x10: {  	[smem:$0x3FB6] =	sst s8  }
0x11: {  	[smem:$0x3FB7] =	sst s9;
	s0 =	simm.s32 @!p0 $0x0  }
0x12: {  	s1 =	sld [smem:$0x3F9D];
	s0 =	simm.s32 @p0 $0x1  }
0x13: {  	[smem:$0x3FB8] =	sst s0;
	s0 =	simm.s32 @!p1 $0x0  }
0x14: {  	s2 =	sld [smem:$0x3F9C];
	s0 =	simm.s32 @p1 $0x1  }
0x15: {  	[smem:$0x3FB9] =	sst s0;
	s0 =	simm.s32 @!p2 $0x0  }
0x16: {  	s3 =	sld [smem:$0x3FDB];
	s0 =	simm.s32 @p2 $0x1  }
0x17: {  	s4 =	simm.s32 $0x1BF5;
	[smem:$0x3FBB] =	sst s0  }
0x18: {  	s0 =	sld [smem:$0x3F9E];
	_ =	swait.ge [sflag:s4], $0x0  }
0x19: {  	s7 =	sld [smem:$0x3F9F]  }
0x1a: {  	s8 =	sadd.s32 $0xFFFFE003, lr  }
0x1b: {  	s9 =	sadd.s32 $0xFFFFFEF7, lr;
	s5 =	simm.s32 $0xFFFFFFFF;
	p2 =	slt.u32 s8, $0xFFFFF086  }
0x1c: {  	p1 =	slt.u32 s9, $0xF7A;
	s5 =	simm.s32 @!p2 $0x0  }
0x1d: {  	s5 =	simm.s32 @p1 $0x1;
	p0 =	seq.s32 s7, s2  }
0x1e: {  	s7 =	smul.u32 @!p0 $0xF7A, s2;
	p2 =	seq.s32 @!p0 s5, $0x0  }
0x1f: {  	s9 =	smul.u32 $0xF7A, s1;
	s8 =	simm.s32 @!p0 $0x1BF5;
	p2 =	por !p2, p0  }
0x20: {  	[sflag:s8] =	ssyncset.s32 @!p0 $0xFFFFF086;
	s6 =	sadd.s32 @!p0 s3, s7;
	s7 =	simm.s32 @!p0 $0x108  }
0x21: {  	s3 =	sadd.s32 s3, s9;
	s6 =	sadd.s32 @!p0 $0x88, s6;
	s7 =	simm.s32 @p2 $0x1082  }
0x22: {  	[simem:s7], [sflag:s8] =	dma.local @!p0 [hbm:s6], $0xF7A  }
0x23: {  	s9 =	sor.u32 $0xD0000000, s2;
	s6 =	simm.s32 $0x108;
	_ =	swait.ge @!p0 [sflag:s8], $0x0  }
0x24: {  	s3 =	sadd.s32 $0x88, s3;
	s6 =	simm.s32 @!p1 $0x1082;
	[sflag:s4] =	ssyncset.s32 $0xFFFFF086  }
0x25: {  	[simem:s6], [sflag:s4] =	dma.local [hbm:s3], $0xF7A  }
0x26: {  	[smem:$0x3F9F] =	sst s1;
	(tag) =	ssettag s2;
	_ =	strace s9  }
0x27: {  	s1 =	sld [smem:$0x3FAF]  }
0x28: {  	s2 =	sld [smem:$0x3FB0]  }
0x29: {  	s4 =	sld [smem:$0x3FB2]  }
0x2a: {  	p0 =	seq.s32 s5, $0x0;
	s5 =	sld [smem:$0x3FB3]  }
0x2b: {  	s6 =	sld [smem:$0x3FB4]  }
0x2c: {  	s7 =	sld [smem:$0x3FB5]  }
0x2d: {  	s3 =	simm.s32 $0x108;
	s8 =	sld [smem:$0x3FB6]  }
0x2e: {  	s3 =	simm.s32 @!p0 $0x1082;
	s9 =	sld [smem:$0x3FB7]  }
0x2f: {  	lr =	sadd.s32 s0, s3;
	s0 =	sld [smem:$0x3FAE]  }
0x30: {  	s3 =	sld [smem:$0x3FB1]  }
0x31: {  	[smem:$0x3FBA] =	sst s10  }
0x32: {  	s10 =	sld [smem:$0x3FB8];
	_ =	sdelay $0x3  }
0x33: {  	p0 =	seq.s32 s10, $0x1;
	s10 =	sld [smem:$0x3FBA];
	_ =	sdelay $0x3  }
0x34: {  	[smem:$0x3FBA] =	sst s10  }
0x35: {  	s10 =	sld [smem:$0x3FB9];
	_ =	sdelay $0x3  }
0x36: {  	p1 =	seq.s32 s10, $0x1;
	s10 =	sld [smem:$0x3FBA];
	_ =	sdelay $0x3  }
0x37: {  	[smem:$0x3FBA] =	sst s10  }
0x38: {  	s10 =	sld [smem:$0x3FBB]  }
0x39: {  	_ = 	snop;
	(pc) =	sbr.ind lr, $3  }
0x3a: {  	_ = 	snop  }
0x3b: {  	_ = 	snop  }
0x3c: {  	p2 =	seq.s32 s10, $0x1;
	s10 =	sld [smem:$0x3FBA]  }
0x3d: {  	_ =	shalt  }
0x3e: {  	_ =	shalt  }
0x3f: {  	_ =	shalt  }
0x40: {  	_ =	shalt  }
0x41: {  	_ =	shalt  }
0x42: {  	_ =	shalt  }
0x43: {  	_ =	shalt  }
0x44: {  	_ =	shalt  }
0x45: {  	_ =	shalt  }
0x46: {  	_ =	shalt  }
0x47: {  	_ =	shalt  }
0x48: {  	_ =	shalt  }
0x49: {  	_ =	shalt  }
0x4a: {  	_ =	shalt  }
0x4b: {  	_ =	shalt  }
0x4c: {  	_ =	shalt  }
0x4d: {  	_ =	shalt  }
0x4e: {  	_ =	shalt  }
0x4f: {  	_ =	shalt  }
0x50: {  	_ =	shalt  }
0x51: {  	_ =	shalt  }
0x52: {  	_ =	shalt  }
0x53: {  	_ =	shalt  }
0x54: {  	_ =	shalt  }
0x55: {  	_ =	shalt  }
0x56: {  	_ =	shalt  }
0x57: {  	_ =	shalt  }
0x58: {  	_ =	shalt  }
0x59: {  	_ =	shalt  }
0x5a: {  	_ =	shalt  }
0x5b: {  	_ =	shalt  }
0x5c: {  	_ =	shalt  }
0x5d: {  	_ =	shalt  }
0x5e: {  	_ =	shalt  }
0x5f: {  	_ =	shalt  }
0x60: {  	_ =	shalt  }
0x61: {  	_ =	shalt  }
0x62: {  	_ =	shalt  }
0x63: {  	_ =	shalt  }
0x64: {  	_ =	shalt  }
0x65: {  	_ =	shalt  }
0x66: {  	_ =	shalt  }
0x67: {  	_ =	shalt  }
0x68: {  	_ =	shalt  }
0x69: {  	_ =	shalt  }
0x6a: {  	_ =	shalt  }
0x6b: {  	_ =	shalt  }
0x6c: {  	_ =	shalt  }
0x6d: {  	_ =	shalt  }
0x6e: {  	_ =	shalt  }
0x6f: {  	_ =	shalt  }
0x70: {  	_ =	shalt  }
0x71: {  	_ =	shalt  }
0x72: {  	_ =	shalt  }
0x73: {  	_ =	shalt  }
0x74: {  	_ =	shalt  }
0x75: {  	_ =	shalt  }
0x76: {  	_ =	shalt  }
0x77: {  	_ =	shalt  }
0x78: {  	_ =	shalt  }
0x79: {  	_ =	shalt  }
0x7a: {  	_ =	shalt  }
0x7b: {  	_ =	shalt  }
0x7c: {  	_ =	shalt  }
0x7d: {  	_ =	shalt  }
0x7e: {  	_ =	shalt  }
0x7f: {  	_ =	shalt  }
0x80: {  	_ =	shalt  }
0x81: {  	_ =	shalt  }
0x82: {  	_ =	shalt  }
0x83: {  	_ =	shalt  }
0x84: {  	_ =	shalt  }
0x85: {  	_ =	shalt  }
0x86: {  	_ =	shalt  }
0x87: {  	_ =	shalt  }
.Lfunc_end0:
.L_simem_size_0:
called_computation_lowered:
.L_overlay_start_0:
0x88: {  	s2 =	sld [smem:$0x3FD9]  }
0x89: {  	s3 =	sld [smem:$0x3FFE];
	_ =	sdelay $0x1  }
0x8a: {  	s1 =	srdreg.scid  }
0x8b: {  	s0 =	sand.u32 $0x1, s1  }
0x8c: {  	s17 =	sshll.u32 s0, $0xA;
	s2 =	sadd.s32 s3, s2  }
0x8d: {  	s2 =	sadd.s32 s2, s17  }
0x8e: {  	[smem:$0x3FC6] =	sst s2  }
0x8f: {  	_ = 	snop  }
0x90: {  	s2 =	sld [smem:$0x3FC8]  }
0x91: {  	s18 =	sld [smem:$0x3FD0];
	(tm) =	ssettm $0x1  }
0x92: {  	s4 =	sld [smem:$0x3FFB];
	_ =	sdelay $0x3  }
0x93: {  	_ =	strace s4  }
0x94: {  	s4 =	sld [smem:$0x3FFC];
	_ =	sdelay $0x3  }
0x95: {  	_ =	strace s4  }
0x96: {  	s4 =	sld [smem:$0x3FFD];
	_ =	sdelay $0x3  }
0x97: {  	_ =	strace s4  }
0x98: {  	_ =	strace $0x8FFFFFFF  }
0x99: {  	s19 =	sld [smem:$0x3FDB];
	_ =	sdelay $0x1  }
0x9a: {  	s5 =	simm.s32 $_scs_section_size  }
0x9b: {  	s6 =	simm.s32 $_size__tile_overlayer_lowered;
	s7 =	simm.s32 $_tile_overlayer_lowered  }
0x9c: {  	s22 =	simm.s32 $0x1BFF;
	s21 =	sshll.u32 s7, $0x1;
	s4 =	sadd.s32 s5, s19  }
0x9d: {  	s8 =	simm.s32 $0x0;
	s20 =	sshll.u32 s6, $0x1;
	s6 =	sadd.s32 s21, s4  }
0x9e: {  	[timem:s8], [sflag:s22] =	dma.local [hbm:s6], s20  }
0x9f: {  	_ =	swait.ge [sflag:s22], s20  }
0xa0: {  	s5 =	ssub.s32 $0x0, s20;
	[sflag:s22] =	ssyncset.done $0x0  }
0xa1: {  	[sflag:s22] =	ssyncadd.s32 s5;
	_ =	sdelay $0x1  }
0xa2: {  	s23 =	simm.s32 $0x1B8B  }
0xa3: {  	_ =	swait.ge [sflag:s23], $0x1  }
0xa4: {  	[sflag:s23] =	ssyncset.done $0x0  }
0xa5: {  	s25 =	simm.s32 $0x1B8E;
	s24 =	sld [smem:$0x3FFE];
	[sflag:s23] =	ssyncadd.s32 $0xFFFFFFFF  }
0xa6: {  	s26 =	simm.s32 $execute0_lowered;
	[smem:$0x3FD2] =	sst s25  }
0xa7: {  	s6 =	sshll.u32 s26, $0x1;
	_ =	strace $0x80000046;
	[dreg:$0x1] =	wrdreg $0xFFFFFFFF  }
0xa8: {  	s28 =	simm.s32 $_size_execute0_lowered;
	s4 =	sadd.s32 s4, s6;
	[dreg:$0x0] =	wrdreg $0x0  }
0xa9: {  	s6 =	sshll.u32 s28, $0x1;
	[dreg:$0x2] =	wrdreg s4  }
0xaa: {  	[dreg:$0x3] =	wrdreg s6  }
0xab: {  	[dreg:$0x4] =	wrdreg $0xC0  }
0xac: {  	_ =	task [dreg:s8], $0x5FFFF  }
0xad: {  	[dreg:$0x1] =	wrdreg $0xFFFFFFFF  }
0xae: {  	[dreg:$0x0] =	wrdreg $0x60  }
0xaf: {  	[dreg:$0x2] =	wrdreg s2  }
0xb0: {  	[dreg:$0x3] =	wrdreg s24  }
0xb1: {  	[dreg:$0x4] =	wrdreg s18  }
0xb2: {  	[dreg:$0x5] =	wrdreg $0x9  }
0xb3: {  	_ =	task.clear_ibuf [dreg:s8], $0x6FFFF;
	_ =	strace $0x90000046  }
0xb4: {  	s29 =	simm.s32 $0x9;
	_ =	strace $0x80000048  }
0xb5: {  	_ =	swait.ge [sflag:s29], $0x1  }
0xb6: {  	[sflag:s29] =	ssyncadd.s32 $0xFFFFFFFF  }
0xb7: {  	_ =	strace $0x90000048  }
0xb8: {  	_ =	sfence  }
0xb9: {  	s30 =	sld [smem:$0x0];
	_ =	sdelay $0x2  }
0xba: {  	s31 =	sshll.u32 s1, $0xD;
	s1 =	sshrl.u32 s1, $0x2  }
0xbb: {  	s3 =	sand.u32 $0x4000, s31;
	s1 =	sadd.s32 s1, s30  }
0xbc: {  	s0 =	sor.u32 s3, s0;
	s1 =	sshll.u32 s1, $0x11  }
0xbd: {  	s0 =	sor.u32 s1, s0  }
0xbe: {  	s0 =	sadd.s32 $0x8F2B, s0  }
0xbf: {  	[sflag:s0] =	ssyncadd.remote.s32 $0x1  }
0xc0: {  	_ =	sfence.sel $0xFFFF  }
0xc1: {  	[dreg:$0x0] =	wrdreg $0xFFFFFFFF;
	(pc) =	sbr.abs _section_cstart, $3  }
0xc2: {  	[dreg:$0x1] =	wrdreg $0xFFFFFFFF  }
0xc3: {  	_ =	task.clear_ibuf [dreg:s8], $0x2FFFF;
	_ =	strace $0x9FFFFFFF  }
0xc4: {  	(tm) =	ssettm $0x7FFFFFFF  }
0xc5: {  	_ =	shalt  }
tec
execute0_lowered:
.L_overlay_start_1:
0x0: {  	(tag) =	ssettag $0x1  }
0x1: {  	s1 =	rddreg [dreg:$0x0];
	s0 =	srdreg.scid  }
0x2: {  	s11 =	stileid.u32;
	s2 =	rddreg [dreg:$0x1]  }
0x3: {  	s3 =	rddreg [dreg:$0x2];
	s19 =	simm.s32 $0x3400;
	s21 =	simm.s32 $0x5400  }
0x4: {  	s16 =	simm.s32 $0x7400;
	s18 =	simm.s32 $0x9400;
	s23 =	simm.s32 $0xB400  }
0x5: {  	s25 =	simm.s32 $0xD400;
	s28 =	simm.s32 $0xF400;
	s8 =	smul.u32 $0x190000, s11  }
0x6: {  	s13 =	simm.s32 $0x9;
	s0 =	sand.u32 $0x1, s0;
	s26 =	smul.u32 $0x32000, s11  }
0x7: {  	s15 =	simm.s32 $0xA;
	s4 =	sshll.u32 s11, $0x1;
	s10 =	smul.u32 $0xC8000, s0  }
0x8: {  	s5 =	sor.u32 s0, s4;
	s7 =	ssub.s32 $0x2, s0;
	s0 =	smul.u32 $0x19000, s0  }
0x9: {  	s11 =	simm.s32 $0x40;
	s4 =	simm.s32 $0x0;
	s6 =	smul.u32 $0x680, s5  }
0xa: {  	[smem:$0x7FF] =	sst s4;
	s9 =	sshrl.u32 s7, $0x1;
	s30 =	sadd.s32 s26, s3  }
0xb: {  	_ =	strace $0x80000047;
	s7 =	ssub.s32 s7, s9;
	s29 =	sadd.s32 s10, s8  }
0xc: {  	s0 =	sadd.s32 s0, s30;
	s10 =	simm.s32 $0x8;
	s2 =	sadd.s32 s6, s2  }
.Ltmp0:
0xd: {  	s9 =	simm.s32 $0x15400;
	s2 =	sadd.s32 $0x400, s2;
	(pc) =	sbr.rel .LBB2_1-.Ltmp0, $4  }
0xe: {  	s6 =	smul.u32 $0xC8000, s5;
	[dreg:$0x4] =	wrdreg s2;
	s2 =	sadd.s32 $0x12000, s29  }
0xf: {  	s7 =	smax.u32 s7, $0x1;
	[dreg:$0x6] =	wrdreg s0;
	s31 =	sshrl.u32 s2, $0x3  }
0x10: {  	s5 =	simm.s32 $0x11400;
	[dreg:$0x5] =	wrdreg s7;
	s0 =	sadd.s32 s31, s3  }
0x11: {  	s7 =	simm.s32 $0x13400;
	s2 =	simm.s32 $0x0;
	[dreg:$0x7] =	wrdreg s0  }
.LBB2_6:
0x12: {  	s0 =	simm.s32 $0xB  }
0x13: {  	_ =	swait.ge [sflag:s0], $0x2000  }
0x14: {  	[sflag:s0] =	ssyncset.done $0x0  }
0x15: {  	s14 =	simm.s32 $0xC;
	[sflag:s0] =	ssyncadd.s32 $0xFFFFE000  }
0x16: {  	_ =	swait.ge [sflag:s14], $0x2000  }
0x17: {  	[sflag:s14] =	ssyncset.done $0x0  }
0x18: {  	s17 =	simm.s32 $0xD;
	[sflag:s14] =	ssyncadd.s32 $0xFFFFE000  }
0x19: {  	_ =	swait.ge [sflag:s17], $0x2000  }
0x1a: {  	[sflag:s17] =	ssyncset.done $0x0  }
0x1b: {  	s20 =	simm.s32 $0xE;
	[sflag:s17] =	ssyncadd.s32 $0xFFFFE000  }
0x1c: {  	_ =	swait.ge [sflag:s20], $0x2000  }
0x1d: {  	[sflag:s20] =	ssyncset.done $0x0  }
0x1e: {  	s22 =	simm.s32 $0xF;
	[sflag:s20] =	ssyncadd.s32 $0xFFFFE000  }
0x1f: {  	_ =	swait.ge [sflag:s22], $0x2000  }
0x20: {  	[sflag:s22] =	ssyncset.done $0x0  }
0x21: {  	s24 =	simm.s32 $0x10;
	[sflag:s22] =	ssyncadd.s32 $0xFFFFE000  }
0x22: {  	_ =	swait.ge [sflag:s24], $0x2000  }
0x23: {  	[sflag:s24] =	ssyncset.done $0x0  }
0x24: {  	s26 =	simm.s32 $0x11;
	[sflag:s24] =	ssyncadd.s32 $0xFFFFE000  }
0x25: {  	_ =	swait.ge [sflag:s26], $0x2000  }
0x26: {  	[sflag:s26] =	ssyncset.done $0x0  }
0x27: {  	s29 =	simm.s32 $0x12;
	[sflag:s26] =	ssyncadd.s32 $0xFFFFE000  }
0x28: {  	_ =	swait.ge [sflag:s29], $0x2000  }
0x29: {  	[sflag:s29] =	ssyncset.done $0x0  }
0x2a: {  	s30 =	simm.s32 $0x13;
	[sflag:s29] =	ssyncadd.s32 $0xFFFFE000  }
0x2b: {  	_ =	swait.ge [sflag:s30], $0x2000  }
0x2c: {  	[sflag:s30] =	ssyncset.done $0x0  }
0x2d: {  	s31 =	simm.s32 $0x14;
	[sflag:s30] =	ssyncadd.s32 $0xFFFFE000  }
0x2e: {  	_ =	swait.ge [sflag:s31], $0x2000  }
0x2f: {  	s2 =	rddreg [dreg:$0x8]  }
0x30: {  	s12 =	rddreg [dreg:$0x5];
	s2 =	sadd.s32 $0x1, s2  }
0x31: {  	p0 =	sne.s32 s2, s12  }
.Ltmp1:
0x32: {  	_ = 	snop;
	(pc) =	sbr.rel @!p0 .LBB2_7-.Ltmp1, $3  }
0x33: {  	_ =	sdelay $0x1  }
0x34: {  	[sflag:s31] =	ssyncset.done $0x0  }
0x35: {  	[sflag:s31] =	ssyncadd.s32 $0xFFFFE000  }
.LBB2_1:
0x36: {  	[dreg:$0x8] =	wrdreg s2  }
.Ltmp2:
0x37: {  	s12 =	rddreg [dreg:$0x4];
	s31 =	simm.s32 $0x15;
	(pc) =	sbr.rel .LBB2_2-.Ltmp2, $4  }
0x38: {  	[tilespmem:s4], [sflag:$0x15] =	stream.linear.gather [hbm4b:s12+s4], $0x3200, $0x38;
	[tilespmem:$0x17400] =	vst v63  }
0x39: {  	_ =	swait.ge [sflag:s31], $0x3200  }
0x3a: {  	s20 =	simm.s32 $0x10000;
	[sflag:s31] =	ssyncset.done $0x0;
	s22 =	rddreg [dreg:$0x7]  }
0x3b: {  	s26 =	simm.s32 $0x0;
	s24 =	rddreg [dreg:$0x6];
	[sflag:s31] =	ssyncadd.s32 $0xFFFFCE00  }
.LBB2_4:
0x3c: {  	s0 =	simm.s32 $0xB  }
0x3d: {  	_ =	swait.ge [sflag:s0], $0x2000  }
0x3e: {  	[sflag:s0] =	ssyncset.done $0x0  }
0x3f: {  	s17 =	sshra.s32 s26, $0x2;
	[sflag:s0] =	ssyncadd.s32 $0xFFFFE000  }
0x40: {  	[tilespmem:s19], [sflag:$0x1] =	stream.indirect.gather [hbm4b:s1+s11], $0x80, s17, s11, $0xb8;
	[tilespmem:$0x17400] =	vst v63  }
0x41: {  	s19 =	simm.s32 $0xC  }
0x42: {  	_ =	swait.ge [sflag:s19], $0x2000  }
0x43: {  	[sflag:s19] =	ssyncset.done $0x0  }
0x44: {  	s2 =	simm.s32 $0xD;
	s0 =	sadd.s32 $0x80, s17;
	[sflag:s19] =	ssyncadd.s32 $0xFFFFE000  }
0x45: {  	[tilespmem:s21], [sflag:$0x2] =	stream.indirect.gather [hbm4b:s1+s11], $0x80, s0, s11, $0xb8;
	[tilespmem:$0x17400] =	vst v63  }
0x46: {  	_ =	swait.ge [sflag:s2], $0x2000  }
0x47: {  	[sflag:s2] =	ssyncset.done $0x0  }
0x48: {  	s12 =	simm.s32 $0xE;
	s8 =	sadd.s32 $0x100, s17;
	[sflag:s2] =	ssyncadd.s32 $0xFFFFE000  }
0x49: {  	[tilespmem:s16], [sflag:$0x3] =	stream.indirect.gather [hbm4b:s1+s11], $0x80, s8, s11, $0xb8;
	[tilespmem:$0x17400] =	vst v63  }
0x4a: {  	_ =	swait.ge [sflag:s12], $0x2000  }
0x4b: {  	[sflag:s12] =	ssyncset.done $0x0  }
0x4c: {  	s21 =	simm.s32 $0xF;
	s16 =	sadd.s32 $0x180, s17;
	[sflag:s12] =	ssyncadd.s32 $0xFFFFE000  }
0x4d: {  	[tilespmem:s18], [sflag:$0x4] =	stream.indirect.gather [hbm4b:s1+s11], $0x80, s16, s11, $0xb8;
	[tilespmem:$0x17400] =	vst v63  }
0x4e: {  	_ =	swait.ge [sflag:s21], $0x2000  }
0x4f: {  	[sflag:s21] =	ssyncset.done $0x0  }
0x50: {  	s2 =	sadd.s32 $0x200, s17;
	s8 =	simm.s32 $0x10;
	[sflag:s21] =	ssyncadd.s32 $0xFFFFE000  }
0x51: {  	[tilespmem:s23], [sflag:$0x5] =	stream.indirect.gather [hbm4b:s1+s11], $0x80, s2, s11, $0xb8;
	[tilespmem:$0x17400] =	vst v63  }
0x52: {  	_ =	swait.ge [sflag:s8], $0x2000  }
0x53: {  	[sflag:s8] =	ssyncset.done $0x0  }
0x54: {  	s12 =	sadd.s32 $0x280, s17;
	s16 =	simm.s32 $0x11;
	[sflag:s8] =	ssyncadd.s32 $0xFFFFE000  }
0x55: {  	[tilespmem:s25], [sflag:$0x6] =	stream.indirect.gather [hbm4b:s1+s11], $0x80, s12, s11, $0xb8;
	[tilespmem:$0x17400] =	vst v63  }
0x56: {  	s14 =	simm.s32 $0x3400;
	_ =	swait.ge [sflag:s16], $0x2000  }
0x57: {  	s31 =	simm.s32 $0x9400;
	s29 =	sadd.s32 $0xFFFFE000, s20;
	[sflag:s16] =	ssyncset.done $0x0  }
0x58: {  	s19 =	simm.s32 $0x12;
	s18 =	sadd.s32 $0x300, s17;
	[sflag:s16] =	ssyncadd.s32 $0xFFFFE000  }
0x59: {  	[tilespmem:s28], [sflag:$0x7] =	stream.indirect.gather [hbm4b:s1+s11], $0x80, s18, s11, $0xb8;
	[tilespmem:$0x17400] =	vst v63  }
0x5a: {  	s30 =	smov.u32 s20;
	s0 =	simm.s32 $0xD400;
	_ =	swait.ge [sflag:s19], $0x2000  }
0x5b: {  	s21 =	sadd.s32 $0x380, s17;
	s17 =	sadd.s32 $0x400, s17;
	[sflag:s19] =	ssyncset.done $0x0  }
0x5c: {  	s23 =	simm.s32 $0x13;
	s2 =	simm.s32 $0xB400;
	[sflag:s19] =	ssyncadd.s32 $0xFFFFE000  }
0x5d: {  	[tilespmem:s5], [sflag:$0x8] =	stream.indirect.gather [hbm4b:s1+s11], $0x80, s21, s11, $0xb8;
	[tilespmem:$0x17400] =	vst v63  }
0x5e: {  	s8 =	simm.s32 $0x13400;
	s25 =	simm.s32 $0x14;
	_ =	swait.ge [sflag:s23], $0x2000  }
0x5f: {  	s16 =	simm.s32 $0x5400;
	s18 =	simm.s32 $0x7400;
	[sflag:s23] =	ssyncset.done $0x0  }
0x60: {  	s28 =	sadd.s32 $0xFFFF2000, s20;
	s19 =	sadd.s32 $0xFFFFA000, s20;
	[sflag:s23] =	ssyncadd.s32 $0xFFFFE000  }
0x61: {  	[tilespmem:s7], [sflag:$0x9] =	stream.indirect.gather [hbm4b:s1+s11], $0x80, s17, s11, $0xb8;
	[tilespmem:$0x17400] =	vst v63  }
0x62: {  	s5 =	simm.s32 $0xF400;
	s21 =	sadd.s32 $0xFFFF8000, s20;
	_ =	swait.ge [sflag:s25], $0x2000  }
0x63: {  	s23 =	sadd.s32 $0xFFFF6000, s20;
	s7 =	simm.s32 $0x11400;
	[sflag:s25] =	ssyncset.done $0x0  }
0x64: {  	s17 =	sadd.s32 $0xFFFFC000, s20;
	[sflag:s25] =	ssyncadd.s32 $0xFFFFE000;
	s25 =	sadd.s32 $0xFFFF4000, s20  }
.LBB2_5:
0x65: {  	s12 =	sshra.s32 s26, $0x2  }
0x66: {  	s12 =	sadd.s32 $0x480, s12  }
0x67: {  	[tilespmem:s9], [sflag:$0xA] =	stream.indirect.gather [hbm4b:s1+s11], $0x80, s12, s11, $0xb8;
	[tilespmem:$0x17400] =	vst v63  }
0x68: {  	s12 =	simm.s32 $0x1  }
0x69: {  	_ =	swait.ge [sflag:s12], $0x2000  }
0x6a: {  	[sflag:s12] =	ssyncset.done $0x0  }
0x6b: {  	[sflag:s12] =	ssyncadd.s32 $0xFFFFE000  }
0x6c: {  	[hbm4b:s24+s4] =	stream.linear.scatter [tilespmem:s14], [sflag:$0xB], $0x2000, $0x38;
	[tilespmem:$0x17400] =	vst v63  }
0x6d: {  	s14 =	simm.s32 $0x2  }
0x6e: {  	s12 =	sadd.s32 s6, s28;
	_ =	swait.ge [sflag:s14], $0x2000  }
0x6f: {  	s12 =	sshrl.u32 s12, $0x3;
	[sflag:s14] =	ssyncset.done $0x0  }
0x70: {  	s12 =	sadd.s32 s3, s12;
	[sflag:s14] =	ssyncadd.s32 $0xFFFFE000;
	s14 =	simm.s32 $0x3  }
0x71: {  	[hbm4b:s12+s4] =	stream.linear.scatter [tilespmem:s16], [sflag:$0xC], $0x2000, $0x38;
	[tilespmem:$0x17400] =	vst v63  }
0x72: {  	s16 =	sadd.s32 s6, s25;
	_ =	swait.ge [sflag:s14], $0x2000  }
0x73: {  	s12 =	sshrl.u32 s16, $0x3;
	[sflag:s14] =	ssyncset.done $0x0  }
0x74: {  	s12 =	sadd.s32 s3, s12;
	[sflag:s14] =	ssyncadd.s32 $0xFFFFE000  }
0x75: {  	[hbm4b:s12+s4] =	stream.linear.scatter [tilespmem:s18], [sflag:$0xD], $0x2000, $0x38;
	[tilespmem:$0x17400] =	vst v63  }
0x76: {  	s18 =	simm.s32 $0x4  }
0x77: {  	s25 =	sadd.s32 s6, s23;
	_ =	swait.ge [sflag:s18], $0x2000  }
0x78: {  	s12 =	sshrl.u32 s25, $0x3;
	[sflag:s18] =	ssyncset.done $0x0  }
0x79: {  	s12 =	sadd.s32 s3, s12;
	[sflag:s18] =	ssyncadd.s32 $0xFFFFE000  }
0x7a: {  	[hbm4b:s12+s4] =	stream.linear.scatter [tilespmem:s31], [sflag:$0xE], $0x2000, $0x38;
	[tilespmem:$0x17400] =	vst v63  }
0x7b: {  	s31 =	simm.s32 $0x5  }
0x7c: {  	s16 =	sadd.s32 s6, s21;
	_ =	swait.ge [sflag:s31], $0x2000  }
0x7d: {  	s12 =	sshrl.u32 s16, $0x3;
	[sflag:s31] =	ssyncset.done $0x0  }
0x7e: {  	s18 =	simm.s32 $0x6;
	s12 =	sadd.s32 s3, s12;
	[sflag:s31] =	ssyncadd.s32 $0xFFFFE000  }
0x7f: {  	[hbm4b:s12+s4] =	stream.linear.scatter [tilespmem:s2], [sflag:$0xF], $0x2000, $0x38;
	[tilespmem:$0x17400] =	vst v63  }
0x80: {  	s21 =	sadd.s32 s6, s19;
	_ =	swait.ge [sflag:s18], $0x2000  }
0x81: {  	s12 =	sshrl.u32 s21, $0x3;
	[sflag:s18] =	ssyncset.done $0x0  }
0x82: {  	s23 =	simm.s32 $0x7;
	s12 =	sadd.s32 s3, s12;
	[sflag:s18] =	ssyncadd.s32 $0xFFFFE000  }
0x83: {  	[hbm4b:s12+s4] =	stream.linear.scatter [tilespmem:s0], [sflag:$0x10], $0x2000, $0x38;
	[tilespmem:$0x17400] =	vst v63  }
0x84: {  	s25 =	sadd.s32 s6, s17;
	_ =	swait.ge [sflag:s23], $0x2000  }
0x85: {  	s12 =	sshrl.u32 s25, $0x3;
	[sflag:s23] =	ssyncset.done $0x0  }
0x86: {  	s12 =	sadd.s32 s3, s12;
	[sflag:s23] =	ssyncadd.s32 $0xFFFFE000  }
0x87: {  	[hbm4b:s12+s4] =	stream.linear.scatter [tilespmem:s5], [sflag:$0x11], $0x2000, $0x38;
	[tilespmem:$0x17400] =	vst v63  }
0x88: {  	s29 =	sadd.s32 s6, s29;
	s26 =	sadd.s32 $0x1400, s26;
	_ =	swait.ge [sflag:s10], $0x2000  }
0x89: {  	s20 =	sadd.s32 $0x14000, s20;
	s12 =	sshrl.u32 s29, $0x3;
	[sflag:s10] =	ssyncset.done $0x0  }
0x8a: {  	p0 =	sne.s32 s26, $0xC800;
	s12 =	sadd.s32 s3, s12;
	[sflag:s10] =	ssyncadd.s32 $0xFFFFE000  }
0x8b: {  	[hbm4b:s12+s4] =	stream.linear.scatter [tilespmem:s7], [sflag:$0x12], $0x2000, $0x38;
	[tilespmem:$0x17400] =	vst v63  }
0x8c: {  	s28 =	simm.s32 $0xF400;
	s31 =	sadd.s32 s6, s30;
	_ =	swait.ge [sflag:s13], $0x2000  }
0x8d: {  	s24 =	sadd.s32 $0x2800, s24;
	s12 =	sshrl.u32 s31, $0x3;
	[sflag:s13] =	ssyncset.done $0x0  }
0x8e: {  	s19 =	simm.s32 $0x3400;
	s12 =	sadd.s32 s3, s12;
	[sflag:s13] =	ssyncadd.s32 $0xFFFFE000  }
0x8f: {  	[hbm4b:s12+s4] =	stream.linear.scatter [tilespmem:s8], [sflag:$0x13], $0x2000, $0x38;
	[tilespmem:$0x17400] =	vst v63  }
.Ltmp3:
0x90: {  	s16 =	simm.s32 $0x7400;
	_ =	swait.ge [sflag:s15], $0x2000;
	(pc) =	sbr.rel @!p0 .LBB2_6-.Ltmp3, $4  }
0x91: {  	s21 =	simm.s32 $0x5400;
	s18 =	simm.s32 $0x9400;
	[sflag:s15] =	ssyncset.done $0x0  }
0x92: {  	s25 =	simm.s32 $0xD400;
	s23 =	simm.s32 $0xB400;
	[sflag:s15] =	ssyncadd.s32 $0xFFFFE000  }
0x93: {  	[hbm4b:s22+s4] =	stream.linear.scatter [tilespmem:s9], [sflag:$0x14], $0x2000, $0x38;
	[tilespmem:$0x17400] =	vst v63  }
0x94: {  	s5 =	simm.s32 $0x11400;
	s7 =	simm.s32 $0x13400;
	s22 =	sadd.s32 $0x2800, s22  }
.LBB2_2:
0x95: {  	p0 =	sne.s32 s26, $0x0  }
.Ltmp4:
0x96: {  	_ = 	snop;
	(pc) =	sbr.rel @p0 .LBB2_4-.Ltmp4, $1  }
0x97: {  	_ =	sdelay $0x3  }
0x98: {  	[tilespmem:s19], [sflag:$0x1] =	stream.indirect.gather [hbm4b:s1+s11], $0x80, s4, s11, $0xb8;
	[tilespmem:$0x17400] =	vst v63  }
0x99: {  	s12 =	simm.s32 $0x80;
	s17 =	simm.s32 $0x100  }
0x9a: {  	[tilespmem:s21], [sflag:$0x2] =	stream.indirect.gather [hbm4b:s1+s11], $0x80, s12, s11, $0xb8;
	[tilespmem:$0x17400] =	vst v63  }
0x9b: {  	s19 =	simm.s32 $0x180;
	s2 =	simm.s32 $0x280;
	s0 =	simm.s32 $0x300  }
0x9c: {  	[tilespmem:s16], [sflag:$0x3] =	stream.indirect.gather [hbm4b:s1+s11], $0x80, s17, s11, $0xb8;
	[tilespmem:$0x17400] =	vst v63  }
0x9d: {  	s29 =	simm.s32 $0xE000;
	s14 =	simm.s32 $0x3400;
	s31 =	simm.s32 $0x9400  }
0x9e: {  	[tilespmem:s18], [sflag:$0x4] =	stream.indirect.gather [hbm4b:s1+s11], $0x80, s19, s11, $0xb8;
	[tilespmem:$0x17400] =	vst v63  }
0x9f: {  	s8 =	simm.s32 $0x13400;
	s30 =	simm.s32 $0x10000;
	s21 =	simm.s32 $0x200  }
0xa0: {  	[tilespmem:s23], [sflag:$0x5] =	stream.indirect.gather [hbm4b:s1+s11], $0x80, s21, s11, $0xb8;
	[tilespmem:$0x17400] =	vst v63  }
0xa1: {  	s16 =	simm.s32 $0x5400;
	s17 =	simm.s32 $0xC000;
	s19 =	simm.s32 $0xA000  }
0xa2: {  	[tilespmem:s25], [sflag:$0x6] =	stream.indirect.gather [hbm4b:s1+s11], $0x80, s2, s11, $0xb8;
	[tilespmem:$0x17400] =	vst v63  }
0xa3: {  	s18 =	simm.s32 $0x7400;
	s23 =	simm.s32 $0x380;
	s21 =	simm.s32 $0x8000  }
0xa4: {  	[tilespmem:s28], [sflag:$0x7] =	stream.indirect.gather [hbm4b:s1+s11], $0x80, s0, s11, $0xb8;
	[tilespmem:$0x17400] =	vst v63  }
.Ltmp5:
0xa5: {  	s25 =	simm.s32 $0x400;
	s2 =	simm.s32 $0xB400;
	(pc) =	sbr.rel .LBB2_5-.Ltmp5, $4  }
0xa6: {  	[tilespmem:s5], [sflag:$0x8] =	stream.indirect.gather [hbm4b:s1+s11], $0x80, s23, s11, $0xb8;
	[tilespmem:$0x17400] =	vst v63  }
0xa7: {  	s28 =	simm.s32 $0x2000;
	s0 =	simm.s32 $0xD400;
	s23 =	simm.s32 $0x6000  }
0xa8: {  	[tilespmem:s7], [sflag:$0x9] =	stream.indirect.gather [hbm4b:s1+s11], $0x80, s25, s11, $0xb8;
	[tilespmem:$0x17400] =	vst v63  }
0xa9: {  	s5 =	simm.s32 $0xF400;
	s7 =	simm.s32 $0x11400;
	s25 =	simm.s32 $0x4000  }
.LBB2_7:
0xaa: {  	_ =	sfence.sel $0x180000  }
0xab: {  	[bflag:$0x0] =	sbarrier.arrive $0xFFFF  }
0xac: {  	_ =	strace $0x90000047  }
0xad: {  	s0 =	stileid.u32;
	[bflag:$0x2] =	sbarrier.arrive $0xFFFF  }
0xae: {  	p0 =	sne.s32 s0, $0x0;
	s0 =	rddreg [dreg:$0x3]  }
0xaf: {  	s0 =	sadd.s32 @!p0 $0x100000, s0  }
0xb0: {  	[sflag:s0] =	ssyncadd.tile.s32 @!p0 $0x1;
	_ =	shalt  }
.Lfunc_end2:
_tile_overlayer_lowered:
.L_overlay_start_2:
0xb1: {  	(tag) =	ssettag $0x2  }
0xb2: {  	s0 =	rddreg [dreg:$0x0];
	s2 =	stileid.u32  }
0xb3: {  	s1 =	rddreg [dreg:$0x1];
	p0 =	sne.s32 s2, $0x0  }
0xb4: {  	s3 =	rddreg [dreg:$0x2];
	[bflag:$0x3] =	sbarrier.arrive $0xFFFF;
	s2 =	simm.s32 @!p0 $0x1C15  }
0xb5: {  	[timem:s3], [sflag:s2] =	dma.local @!p0 [hbm:s0], s1  }
0xb6: {  	s0 =	simm.s32 @!p0 $0x15  }
0xb7: {  	_ =	swait.ge @!p0 [sflag:s0], s1  }
0xb8: {  	s1 =	ssub.s32 @!p0 $0x0, s1;
	[sflag:s0] =	ssyncset.done @!p0 $0x0  }
0xb9: {  	[sflag:s0] =	ssyncadd.s32 @!p0 s1  }
0xba: {  	[bflag:$0x3] =	sbarrier.arrive $0xFFFF  }
0xbb: {  	_ =	shalt  }

</sc_bundles>
